<compile_context>
chip_gen: v7x
topology: tpu7x:2x2x1
jax: 0.10.2.dev20260603
libtpu: 0.0.44.dev20260713+nightly
codegen_flags: <defaults>
</compile_context>

<pallas_src>
import functools

import jax
import jax.numpy as jnp
from jax import lax
from jax.experimental import pallas as pl
from jax.experimental.pallas import tpu as pltpu
from jax.experimental.pallas import tpu_sc as plsc

N_BINS = 1024
HIDDEN = 16
MIN_VAL = -3.0
MAX_VAL = 3.0
BATCH = 16384
FIELDS = 100
NC, NS, LANES = 2, 16, 16
NW = NC * NS
BW = BATCH // NW
BH = 256
FB = 10
HT, HS, BT, BL = HIDDEN // 8, 8, BATCH // 128, 128
NPAIR = FIELDS // (2 * FB)
INV_STEP = float(N_BINS - 2) / (MAX_VAL - MIN_VAL)


@functools.cache
def _build():
    mesh = plsc.VectorSubcoreMesh(core_axis_name="c", subcore_axis_name="s")

    @functools.partial(
        pl.kernel,
        mesh=mesh,
        out_type=jax.ShapeDtypeStruct((FIELDS, HT, BT, HS, BL), jnp.float32),
        scratch_types=[
            pltpu.VMEM((N_BINS - 1,), jnp.float32),
            pltpu.VMEM((N_BINS * (HIDDEN + 1),), jnp.float32),
            pltpu.VMEM((FIELDS, BH), jnp.float32),
            pltpu.VMEM((FB, HT, BH // 128, HS, BL), jnp.float32),
            pltpu.VMEM((FB, HT, BH // 128, HS, BL), jnp.float32),
            pltpu.SemaphoreType.DMA,
            pltpu.SemaphoreType.DMA,
        ],
        compiler_params=pltpu.CompilerParams(
            use_tc_tiling_on_sc=False, needs_layout_passes=False
        ),
    )
    def _sc_embed(xt_hbm, bounds_hbm, tflat_hbm, out_hbm,
                  bounds_v, tv, xv, vb0, vb1, sem0, sem1):
        wid = lax.axis_index("s") * NC + lax.axis_index("c")
        pltpu.sync_copy(bounds_hbm, bounds_v)
        pltpu.sync_copy(tflat_hbm, tv)

        def half(ph, carry):
            b0 = wid * BW + ph * BH
            bt0 = b0 // 128
            pltpu.sync_copy(xt_hbm.at[:, pl.ds(b0, BH)], xv)

            def fields_into(vb, f0base):
                @plsc.parallel_loop(0, FB)
                def field(f_):
                    fa = f0base + f_

                    @plsc.parallel_loop(0, BH // LANES, unroll=4)
                    def bwin(w):
                        xx = xv[fa, pl.ds(w * LANES, LANES)]
                        t = jnp.clip((xx - MIN_VAL) * INV_STEP,
                                     0.0, float(N_BINS - 1))
                        g = t.astype(jnp.int32)
                        g = g + jnp.where(t > g.astype(jnp.float32), 1, 0)
                        bu = plsc.load_gather(
                            bounds_v, [jnp.minimum(g, N_BINS - 2)])
                        bd = plsc.load_gather(
                            bounds_v, [jnp.maximum(g - 1, 0)])
                        up = jnp.where((g < N_BINS - 1) & (bu < xx), 1, 0)
                        dn = jnp.where((g > 0) & (bd >= xx), 1, 0)
                        av = (g + up - dn) * (HIDDEN + 1)
                        bt_ = w // 8
                        bl_ = (w % 8) * LANES
                        for h in range(HIDDEN):
                            vals = plsc.load_gather(tv, [av + h])
                            vb[f_, h // 8, bt_, h % 8, pl.ds(bl_, LANES)] = vals

            def pair(p, c):
                f0 = p * 2 * FB

                @pl.when(p > 0)
                def _():
                    pltpu.make_async_copy(
                        vb0, out_hbm.at[pl.ds(0, FB), :, pl.ds(bt0, BH // 128)],
                        sem0).wait()

                fields_into(vb0, f0)
                pltpu.async_copy(
                    vb0, out_hbm.at[pl.ds(f0, FB), :, pl.ds(bt0, BH // 128)],
                    sem0)

                @pl.when(p > 0)
                def _():
                    pltpu.make_async_copy(
                        vb1, out_hbm.at[pl.ds(0, FB), :, pl.ds(bt0, BH // 128)],
                        sem1).wait()

                fields_into(vb1, f0 + FB)
                pltpu.async_copy(
                    vb1, out_hbm.at[pl.ds(f0 + FB, FB), :,
                                    pl.ds(bt0, BH // 128)],
                    sem1)
                return c

            lax.fori_loop(0, NPAIR, pair, 0, unroll=False)
            pltpu.make_async_copy(
                vb0, out_hbm.at[pl.ds(0, FB), :, pl.ds(bt0, BH // 128)],
                sem0).wait()
            pltpu.make_async_copy(
                vb1, out_hbm.at[pl.ds(0, FB), :, pl.ds(bt0, BH // 128)],
                sem1).wait()
            return carry

        lax.fori_loop(0, BW // BH, half, 0, unroll=False)

    return _sc_embed


def kernel(x, bounds, table):
    tpad = jnp.pad(table, ((0, 0), (0, 1)))
    raw = _build()(x.T, bounds, tpad.reshape(N_BINS * (HIDDEN + 1)))
    out = raw.transpose(2, 4, 0, 1, 3)
    return out.reshape(BATCH, FIELDS, HIDDEN)

# --- scband reference (transcript-rebuilt; emitter-appended) ---
"""Pipeline reference for scband-quantization-embedding-38070590112516 (READ-ONLY COPY).

The authoritative reference and input builder live on the scoring server;
editing this copy changes nothing except your own understanding.
"""

import jax, jax.numpy as jnp
import numpy as np

N_BINS = 1024
MIN_VAL = -3.0
MAX_VAL = 3.0
HIDDEN = 16
BATCH = 16384
FIELDS = 100


def setup_inputs(seed: int = 0) -> dict:
    key = jax.random.key(seed)
    kx, kt = jax.random.split(key)
    x = jax.random.normal(kx, (BATCH, FIELDS), dtype=jnp.float32)
    # non-trainable boundary buffer, same as torch.linspace(min_val, max_val, n_bins - 1)
    bounds = jnp.linspace(MIN_VAL, MAX_VAL, N_BINS - 1, dtype=jnp.float32)
    # nn.Embedding(n_bins, hidden) weight ~ N(0, 1)
    table = jax.random.normal(kt, (N_BINS, HIDDEN), dtype=jnp.float32)
    return {"x": x, "bounds": bounds, "table": table}


def reference(x, bounds, table):
    # torch.bucketize(x, boundaries, right=False): boundaries[i-1] < v <= boundaries[i] -> i
    # equivalent to searchsorted with side='left'
    idx = jnp.searchsorted(bounds, x, side="left")
    # nn.Embedding lookup -> gather rows
    out = jnp.take(table, idx, axis=0)
    return out

if __name__ == "__main__":
    import jax
    _d = setup_inputs()
    print(jax.jit(kernel)(*tuple(_d.values())))

</pallas_src>

<mosaic_0001>
#map = affine_map<(d0, d1) -> (0, 0)>
#map1 = affine_map<(d0, d1) -> (0)>
#map2 = affine_map<(d0, d1) -> (0, 0, 0, 0, 0)>
module attributes {stable_mosaic.version = 14 : i64} {
  func.func @_sc_embed(%arg0: i32, %arg1: i32, %arg2: memref<100x16384xf32, #tpu.memory_space<hbm>>, %arg3: memref<1023xf32, #tpu.memory_space<hbm>>, %arg4: memref<17408xf32, #tpu.memory_space<hbm>>, %arg5: memref<100x2x128x8x128xf32, #tpu.memory_space<hbm>>, %arg6: memref<1023xf32, #tpu.memory_space<vmem>>, %arg7: memref<17408xf32, #tpu.memory_space<vmem>>, %arg8: memref<100x256xf32, #tpu.memory_space<vmem>>, %arg9: memref<10x2x2x8x128xf32, #tpu.memory_space<vmem>>, %arg10: memref<10x2x2x8x128xf32, #tpu.memory_space<vmem>>, %arg11: memref<!tpu.dma_semaphore, #tpu.memory_space<semaphore_mem>>, %arg12: memref<!tpu.dma_semaphore, #tpu.memory_space<semaphore_mem>>) attributes {dimension_semantics = [#tpu.dimension_semantics<core_parallel>, #tpu.dimension_semantics<subcore_parallel>], iteration_bounds = array<i64: 2, 16>, scalar_prefetch = 0 : i64, scratch_operands = 7 : i64, tpu.core_type = #tpu.core_type<sc_vector_subcore>, window_params = [{transform_indices = #map}, {transform_indices = #map1}, {transform_indices = #map1}, {transform_indices = #map2}]} {
    %mul3A = arith.constant 2 : i32
    %mul3A_0 = arith.muli %arg1, %mul3A : i32
    %add3A = arith.addi %mul3A_0, %arg0 : i32
    "tpu.region"() ({
      %run_scoped3A = tpu.sem_alloc : memref<!tpu.dma_semaphore, #tpu.memory_space<semaphore_mem>>
      tpu.enqueue_dma source(%arg3 : memref<1023xf32, #tpu.memory_space<hbm>>) target(%arg6 : memref<1023xf32, #tpu.memory_space<vmem>>) target_semaphore(%run_scoped3A : memref<!tpu.dma_semaphore, #tpu.memory_space<semaphore_mem>>)
      tpu.wait_dma2 semaphore(%run_scoped3A : memref<!tpu.dma_semaphore, #tpu.memory_space<semaphore_mem>>) src(%arg3 : memref<1023xf32, #tpu.memory_space<hbm>>) dst(%arg6 : memref<1023xf32, #tpu.memory_space<vmem>>)
      tpu.yield
    }) : () -> ()
    "tpu.region"() ({
      %run_scoped3A = tpu.sem_alloc : memref<!tpu.dma_semaphore, #tpu.memory_space<semaphore_mem>>
      tpu.enqueue_dma source(%arg4 : memref<17408xf32, #tpu.memory_space<hbm>>) target(%arg7 : memref<17408xf32, #tpu.memory_space<vmem>>) target_semaphore(%run_scoped3A : memref<!tpu.dma_semaphore, #tpu.memory_space<semaphore_mem>>)
      tpu.wait_dma2 semaphore(%run_scoped3A : memref<!tpu.dma_semaphore, #tpu.memory_space<semaphore_mem>>) src(%arg4 : memref<17408xf32, #tpu.memory_space<hbm>>) dst(%arg7 : memref<17408xf32, #tpu.memory_space<vmem>>)
      tpu.yield
    }) : () -> ()
    %scan3A = arith.constant 0 : i32
    %scan3A_1 = arith.constant 0 : i32
    %scan3A_2 = arith.constant 2 : i32
    %scan3A_3 = arith.addi %scan3A_1, %scan3A_2 : i32
    %scan3A_4 = arith.constant 1 : i32
    scf.for %scan3A_6 = %scan3A_1 to %scan3A_3 step %scan3A_4  : i32 {
      %mul3A_7 = arith.constant 512 : i32
      %mul3A_8 = arith.muli %add3A, %mul3A_7 : i32
      %mul3A_9 = arith.constant 256 : i32
      %mul3A_10 = arith.muli %scan3A_6, %mul3A_9 : i32
      %add3A_11 = arith.addi %mul3A_8, %mul3A_10 : i32
      %jit3A = arith.constant 128 : i32
      %div3A = arith.divsi %add3A_11, %jit3A : i32
      %sign3A = arith.constant 0 : i32
      %sign3A_12 = arith.cmpi sgt, %add3A_11, %sign3A : i32
      %sign3A_13 = arith.extui %sign3A_12 : i1 to i32
      %sign3A_14 = arith.constant 0 : i32
      %sign3A_15 = arith.cmpi slt, %add3A_11, %sign3A_14 : i32
      %sign3A_16 = arith.extui %sign3A_15 : i1 to i32
      %sign3A_17 = arith.subi %sign3A_13, %sign3A_16 : i32
      %sign3A_18 = arith.constant 0 : i32
      %sign3A_19 = arith.cmpi sgt, %jit3A, %sign3A_18 : i32
      %sign3A_20 = arith.extui %sign3A_19 : i1 to i32
      %sign3A_21 = arith.constant 0 : i32
      %sign3A_22 = arith.cmpi slt, %jit3A, %sign3A_21 : i32
      %sign3A_23 = arith.extui %sign3A_22 : i1 to i32
      %sign3A_24 = arith.subi %sign3A_20, %sign3A_23 : i32
      %ne3A = arith.cmpi ne, %sign3A_17, %sign3A_24 : i32
      %rem3A = arith.remsi %add3A_11, %jit3A : i32
      %ne3A_25 = arith.constant 0 : i32
      %ne3A_26 = arith.cmpi ne, %rem3A, %ne3A_25 : i32
      %and3A = arith.andi %ne3A, %ne3A_26 : i1
      %sub3A = arith.constant 1 : i32
      %sub3A_27 = arith.subi %div3A, %sub3A : i32
      %select_n3A = arith.select %and3A, %sub3A_27, %div3A : i32
      "tpu.region"() ({
        %run_scoped3A = tpu.sem_alloc : memref<!tpu.dma_semaphore, #tpu.memory_space<semaphore_mem>>
        %dma_start3A = arith.constant 0 : i32
        %dma_start3A_53 = tpu.memref_slice %arg2[%dma_start3A, %add3A_11] : memref<100x16384xf32, #tpu.memory_space<hbm>> -> memref<100x256xf32, #tpu.memory_space<hbm>>
        %dma_start3A_54 = arith.constant 0 : i32
        %dma_start3A_55 = tpu.memref_slice %arg2[%dma_start3A_54, %add3A_11] : memref<100x16384xf32, #tpu.memory_space<hbm>> -> memref<100x256xf32, #tpu.memory_space<hbm>>
        tpu.enqueue_dma source(%dma_start3A_55 : memref<100x256xf32, #tpu.memory_space<hbm>>) target(%arg8 : memref<100x256xf32, #tpu.memory_space<vmem>>) target_semaphore(%run_scoped3A : memref<!tpu.dma_semaphore, #tpu.memory_space<semaphore_mem>>)
        %dma_wait3A_56 = arith.constant 0 : i32
        %dma_wait3A_57 = tpu.memref_slice %arg2[%dma_wait3A_56, %add3A_11] : memref<100x16384xf32, #tpu.memory_space<hbm>> -> memref<100x256xf32, #tpu.memory_space<hbm>>
        %dma_wait3A_58 = arith.constant 0 : i32
        %dma_wait3A_59 = tpu.memref_slice %arg2[%dma_wait3A_58, %add3A_11] : memref<100x16384xf32, #tpu.memory_space<hbm>> -> memref<100x256xf32, #tpu.memory_space<hbm>>
        tpu.wait_dma2 semaphore(%run_scoped3A : memref<!tpu.dma_semaphore, #tpu.memory_space<semaphore_mem>>) src(%dma_wait3A_59 : memref<100x256xf32, #tpu.memory_space<hbm>>) dst(%arg8 : memref<100x256xf32, #tpu.memory_space<vmem>>)
        tpu.yield
      }) : () -> ()
      %scan3A_28 = arith.constant 0 : i32
      %scan3A_29 = arith.constant 0 : i32
      %scan3A_30 = arith.constant 5 : i32
      %scan3A_31 = arith.addi %scan3A_29, %scan3A_30 : i32
      %scan3A_32 = arith.constant 1 : i32
      scf.for %scan3A_53 = %scan3A_29 to %scan3A_31 step %scan3A_32  : i32 {
        %mul3A_54 = arith.constant 2 : i32
        %mul3A_55 = arith.muli %scan3A_53, %mul3A_54 : i32
        %mul3A_56 = arith.constant 10 : i32
        %mul3A_57 = arith.muli %mul3A_55, %mul3A_56 : i32
        %gt3A = arith.constant 0 : i32
        %gt3A_58 = arith.cmpi sgt, %scan3A_53, %gt3A : i32
        %convert_element_type3A = arith.extui %gt3A_58 : i1 to i32
        %cond3A = arith.constant 0 : i32
        %cond3A_59 = arith.cmpi ne, %convert_element_type3A, %cond3A : i32
        scf.if %cond3A_59 {
          %dma_wait3A_89 = arith.constant 0 : i32
          %dma_wait3A_90 = arith.constant 0 : i32
          %dma_wait3A_91 = arith.constant 0 : i32
          %dma_wait3A_92 = arith.constant 0 : i32
          %dma_wait3A_93 = tpu.memref_slice %arg5[%dma_wait3A_89, %dma_wait3A_90, %select_n3A, %dma_wait3A_91, %dma_wait3A_92] : memref<100x2x128x8x128xf32, #tpu.memory_space<hbm>> -> memref<10x2x2x8x128xf32, #tpu.memory_space<hbm>>
          %dma_wait3A_94 = arith.constant 0 : i32
          %dma_wait3A_95 = arith.constant 0 : i32
          %dma_wait3A_96 = arith.constant 0 : i32
          %dma_wait3A_97 = arith.constant 0 : i32
          %dma_wait3A_98 = tpu.memref_slice %arg5[%dma_wait3A_94, %dma_wait3A_95, %select_n3A, %dma_wait3A_96, %dma_wait3A_97] : memref<100x2x128x8x128xf32, #tpu.memory_space<hbm>> -> memref<10x2x2x8x128xf32, #tpu.memory_space<hbm>>
          tpu.wait_dma2 semaphore(%arg11 : memref<!tpu.dma_semaphore, #tpu.memory_space<semaphore_mem>>) src(%arg9 : memref<10x2x2x8x128xf32, #tpu.memory_space<vmem>>) dst(%dma_wait3A_98 : memref<10x2x2x8x128xf32, #tpu.memory_space<hbm>>)
        } else {
        }
        %parallel_loop3A = arith.constant 0 : i32
        %parallel_loop3A_60 = arith.constant 10 : i32
        %parallel_loop3A_61 = arith.constant 1 : i32
        scf.for %parallel_loop3A_89 = %parallel_loop3A to %parallel_loop3A_60 step %parallel_loop3A_61  : i32 {
          %parallel_loop3A_90 = arith.addi %mul3A_57, %parallel_loop3A_89 : i32
          %parallel_loop3A_91 = arith.constant 0 : i32
          %parallel_loop3A_92 = arith.constant 16 : i32
          %parallel_loop3A_93 = arith.constant 1 : i32
          scf.for %parallel_loop3A_94 = %parallel_loop3A_91 to %parallel_loop3A_92 step %parallel_loop3A_93  : i32 {
            %parallel_loop3A_95 = arith.constant 16 : i32
            %parallel_loop3A_96 = arith.muli %parallel_loop3A_94, %parallel_loop3A_95 : i32
            %parallel_loop3A_97 = arith.index_cast %parallel_loop3A_90 : i32 to index
            %parallel_loop3A_98 = arith.index_cast %parallel_loop3A_96 : i32 to index
            %parallel_loop3A_99 = tpu.vector_load %arg8[%parallel_loop3A_97, %parallel_loop3A_98] {strides = array<i32>} : memref<100x256xf32, #tpu.memory_space<vmem>>, vector<16xf32>,
            %parallel_loop3A_100 = arith.constant -3.000000e+00 : f32
            %parallel_loop3A_101 = vector.broadcast %parallel_loop3A_100 : f32 to vector<16xf32>
            %parallel_loop3A_102 = arith.subf %parallel_loop3A_99, %parallel_loop3A_101 : vector<16xf32>
            %parallel_loop3A_103 = arith.constant 170.333328 : f32
            %parallel_loop3A_104 = vector.broadcast %parallel_loop3A_103 : f32 to vector<16xf32>
            %parallel_loop3A_105 = arith.mulf %parallel_loop3A_102, %parallel_loop3A_104 : vector<16xf32>
            %parallel_loop3A_106 = arith.constant 0.000000e+00 : f32
            %parallel_loop3A_107 = arith.constant 1.023000e+03 : f32
            %parallel_loop3A_108 = vector.broadcast %parallel_loop3A_106 : f32 to vector<16xf32>
            %parallel_loop3A_109 = arith.maximumf %parallel_loop3A_108, %parallel_loop3A_105 : vector<16xf32>
            %parallel_loop3A_110 = vector.broadcast %parallel_loop3A_107 : f32 to vector<16xf32>
            %parallel_loop3A_111 = arith.minimumf %parallel_loop3A_110, %parallel_loop3A_109 : vector<16xf32>
            %parallel_loop3A_112 = arith.fptosi %parallel_loop3A_111 : vector<16xf32> to vector<16xi32>
            %parallel_loop3A_113 = arith.sitofp %parallel_loop3A_112 : vector<16xi32> to vector<16xf32>
            %parallel_loop3A_114 = arith.cmpf ogt, %parallel_loop3A_111, %parallel_loop3A_113 : vector<16xf32>
            %parallel_loop3A_115 = arith.constant 1 : i32
            %parallel_loop3A_116 = arith.constant 0 : i32
            %parallel_loop3A_117 = vector.broadcast %parallel_loop3A_115 : i32 to vector<16xi32>
            %parallel_loop3A_118 = vector.broadcast %parallel_loop3A_116 : i32 to vector<16xi32>
            %parallel_loop3A_119 = arith.select %parallel_loop3A_114, %parallel_loop3A_117, %parallel_loop3A_118 : vector<16xi1>, vector<16xi32>
            %parallel_loop3A_120 = arith.addi %parallel_loop3A_112, %parallel_loop3A_119 : vector<16xi32>
            %parallel_loop3A_121 = arith.constant 1022 : i32
            %parallel_loop3A_122 = vector.broadcast %parallel_loop3A_121 : i32 to vector<16xi32>
            %parallel_loop3A_123 = arith.minsi %parallel_loop3A_120, %parallel_loop3A_122 : vector<16xi32>
            %parallel_loop3A_124 = tpu.vector_load_idx %arg6[%parallel_loop3A_123] : memref<1023xf32, #tpu.memory_space<vmem>>[vector<16xi32>], vector<16xf32>,
            %parallel_loop3A_125 = arith.constant 1 : i32
            %parallel_loop3A_126 = vector.broadcast %parallel_loop3A_125 : i32 to vector<16xi32>
            %parallel_loop3A_127 = arith.subi %parallel_loop3A_120, %parallel_loop3A_126 : vector<16xi32>
            %parallel_loop3A_128 = arith.constant 0 : i32
            %parallel_loop3A_129 = vector.broadcast %parallel_loop3A_128 : i32 to vector<16xi32>
            %parallel_loop3A_130 = arith.maxsi %parallel_loop3A_127, %parallel_loop3A_129 : vector<16xi32>
            %parallel_loop3A_131 = tpu.vector_load_idx %arg6[%parallel_loop3A_130] : memref<1023xf32, #tpu.memory_space<vmem>>[vector<16xi32>], vector<16xf32>,
            %parallel_loop3A_132 = arith.constant 1023 : i32
            %parallel_loop3A_133 = vector.broadcast %parallel_loop3A_132 : i32 to vector<16xi32>
            %parallel_loop3A_134 = arith.cmpi slt, %parallel_loop3A_120, %parallel_loop3A_133 : vector<16xi32>
            %parallel_loop3A_135 = arith.cmpf olt, %parallel_loop3A_124, %parallel_loop3A_99 : vector<16xf32>
            %parallel_loop3A_136 = arith.andi %parallel_loop3A_134, %parallel_loop3A_135 : vector<16xi1>
            %parallel_loop3A_137 = arith.constant 1 : i32
            %parallel_loop3A_138 = arith.constant 0 : i32
            %parallel_loop3A_139 = vector.broadcast %parallel_loop3A_137 : i32 to vector<16xi32>
            %parallel_loop3A_140 = vector.broadcast %parallel_loop3A_138 : i32 to vector<16xi32>
            %parallel_loop3A_141 = arith.select %parallel_loop3A_136, %parallel_loop3A_139, %parallel_loop3A_140 : vector<16xi1>, vector<16xi32>
            %parallel_loop3A_142 = arith.constant 0 : i32
            %parallel_loop3A_143 = vector.broadcast %parallel_loop3A_142 : i32 to vector<16xi32>
            %parallel_loop3A_144 = arith.cmpi sgt, %parallel_loop3A_120, %parallel_loop3A_143 : vector<16xi32>
            %parallel_loop3A_145 = arith.cmpf oge, %parallel_loop3A_131, %parallel_loop3A_99 : vector<16xf32>
            %parallel_loop3A_146 = arith.andi %parallel_loop3A_144, %parallel_loop3A_145 : vector<16xi1>
            %parallel_loop3A_147 = arith.constant 1 : i32
            %parallel_loop3A_148 = arith.constant 0 : i32
            %parallel_loop3A_149 = vector.broadcast %parallel_loop3A_147 : i32 to vector<16xi32>
            %parallel_loop3A_150 = vector.broadcast %parallel_loop3A_148 : i32 to vector<16xi32>
            %parallel_loop3A_151 = arith.select %parallel_loop3A_146, %parallel_loop3A_149, %parallel_loop3A_150 : vector<16xi1>, vector<16xi32>
            %parallel_loop3A_152 = arith.addi %parallel_loop3A_120, %parallel_loop3A_141 : vector<16xi32>
            %parallel_loop3A_153 = arith.subi %parallel_loop3A_152, %parallel_loop3A_151 : vector<16xi32>
            %parallel_loop3A_154 = arith.constant 17 : i32
            %parallel_loop3A_155 = vector.broadcast %parallel_loop3A_154 : i32 to vector<16xi32>
            %parallel_loop3A_156 = arith.muli %parallel_loop3A_153, %parallel_loop3A_155 : vector<16xi32>
            %parallel_loop3A_157 = arith.constant 8 : i32
            %parallel_loop3A_158 = arith.divsi %parallel_loop3A_94, %parallel_loop3A_157 : i32
            %parallel_loop3A_159 = arith.constant 0 : i32
            %parallel_loop3A_160 = arith.cmpi sgt, %parallel_loop3A_94, %parallel_loop3A_159 : i32
            %parallel_loop3A_161 = arith.extui %parallel_loop3A_160 : i1 to i32
            %parallel_loop3A_162 = arith.constant 0 : i32
            %parallel_loop3A_163 = arith.cmpi slt, %parallel_loop3A_94, %parallel_loop3A_162 : i32
            %parallel_loop3A_164 = arith.extui %parallel_loop3A_163 : i1 to i32
            %parallel_loop3A_165 = arith.subi %parallel_loop3A_161, %parallel_loop3A_164 : i32
            %parallel_loop3A_166 = arith.constant 0 : i32
            %parallel_loop3A_167 = arith.cmpi sgt, %parallel_loop3A_157, %parallel_loop3A_166 : i32
            %parallel_loop3A_168 = arith.extui %parallel_loop3A_167 : i1 to i32
            %parallel_loop3A_169 = arith.constant 0 : i32
            %parallel_loop3A_170 = arith.cmpi slt, %parallel_loop3A_157, %parallel_loop3A_169 : i32
            %parallel_loop3A_171 = arith.extui %parallel_loop3A_170 : i1 to i32
            %parallel_loop3A_172 = arith.subi %parallel_loop3A_168, %parallel_loop3A_171 : i32
            %parallel_loop3A_173 = arith.cmpi ne, %parallel_loop3A_165, %parallel_loop3A_172 : i32
            %parallel_loop3A_174 = arith.remsi %parallel_loop3A_94, %parallel_loop3A_157 : i32
            %parallel_loop3A_175 = arith.constant 0 : i32
            %parallel_loop3A_176 = arith.cmpi ne, %parallel_loop3A_174, %parallel_loop3A_175 : i32
            %parallel_loop3A_177 = arith.andi %parallel_loop3A_173, %parallel_loop3A_176 : i1
            %parallel_loop3A_178 = arith.constant 1 : i32
            %parallel_loop3A_179 = arith.subi %parallel_loop3A_158, %parallel_loop3A_178 : i32
            %parallel_loop3A_180 = arith.select %parallel_loop3A_177, %parallel_loop3A_179, %parallel_loop3A_158 : i32
            %parallel_loop3A_181 = arith.constant 8 : i32
            %parallel_loop3A_182 = arith.constant 0 : i32
            %parallel_loop3A_183 = arith.cmpi eq, %parallel_loop3A_181, %parallel_loop3A_182 : i32
            %parallel_loop3A_184 = arith.constant 1 : i32
            %parallel_loop3A_185 = arith.select %parallel_loop3A_183, %parallel_loop3A_184, %parallel_loop3A_181 : i32
            %parallel_loop3A_186 = arith.remsi %parallel_loop3A_94, %parallel_loop3A_185 : i32
            %parallel_loop3A_187 = arith.constant 0 : i32
            %parallel_loop3A_188 = arith.cmpi ne, %parallel_loop3A_186, %parallel_loop3A_187 : i32
            %parallel_loop3A_189 = arith.constant 0 : i32
            %parallel_loop3A_190 = arith.cmpi slt, %parallel_loop3A_186, %parallel_loop3A_189 : i32
            %parallel_loop3A_191 = arith.constant 0 : i32
            %parallel_loop3A_192 = arith.cmpi slt, %parallel_loop3A_185, %parallel_loop3A_191 : i32
            %parallel_loop3A_193 = arith.xori %parallel_loop3A_190, %parallel_loop3A_192 : i1
            %parallel_loop3A_194 = arith.andi %parallel_loop3A_193, %parallel_loop3A_188 : i1
            %parallel_loop3A_195 = arith.addi %parallel_loop3A_186, %parallel_loop3A_185 : i32
            %parallel_loop3A_196 = arith.select %parallel_loop3A_194, %parallel_loop3A_195, %parallel_loop3A_186 : i32
            %parallel_loop3A_197 = arith.constant 16 : i32
            %parallel_loop3A_198 = arith.muli %parallel_loop3A_196, %parallel_loop3A_197 : i32
            %parallel_loop3A_199 = arith.constant 0 : i32
            %parallel_loop3A_200 = vector.broadcast %parallel_loop3A_199 : i32 to vector<16xi32>
            %parallel_loop3A_201 = arith.addi %parallel_loop3A_156, %parallel_loop3A_200 : vector<16xi32>
            %parallel_loop3A_202 = tpu.vector_load_idx %arg7[%parallel_loop3A_201] : memref<17408xf32, #tpu.memory_space<vmem>>[vector<16xi32>], vector<16xf32>,
            %parallel_loop3A_203 = arith.constant 0 : i32
            %parallel_loop3A_204 = arith.constant 0 : i32
            %parallel_loop3A_205 = arith.index_cast %parallel_loop3A_89 : i32 to index
            %parallel_loop3A_206 = arith.index_cast %parallel_loop3A_203 : i32 to index
            %parallel_loop3A_207 = arith.index_cast %parallel_loop3A_180 : i32 to index
            %parallel_loop3A_208 = arith.index_cast %parallel_loop3A_204 : i32 to index
            %parallel_loop3A_209 = arith.index_cast %parallel_loop3A_198 : i32 to index
            %parallel_loop3A_210 = tpu.vector_load %arg9[%parallel_loop3A_205, %parallel_loop3A_206, %parallel_loop3A_207, %parallel_loop3A_208, %parallel_loop3A_209] {strides = array<i32>} : memref<10x2x2x8x128xf32, #tpu.memory_space<vmem>>, vector<16xf32>,
            tpu.vector_store %arg9[%parallel_loop3A_205, %parallel_loop3A_206, %parallel_loop3A_207, %parallel_loop3A_208, %parallel_loop3A_209], %parallel_loop3A_202 {strides = array<i32>} : memref<10x2x2x8x128xf32, #tpu.memory_space<vmem>>, vector<16xf32>,
            %parallel_loop3A_211 = arith.constant 1 : i32
            %parallel_loop3A_212 = vector.broadcast %parallel_loop3A_211 : i32 to vector<16xi32>
            %parallel_loop3A_213 = arith.addi %parallel_loop3A_156, %parallel_loop3A_212 : vector<16xi32>
            %parallel_loop3A_214 = tpu.vector_load_idx %arg7[%parallel_loop3A_213] : memref<17408xf32, #tpu.memory_space<vmem>>[vector<16xi32>], vector<16xf32>,
            %parallel_loop3A_215 = arith.constant 0 : i32
            %parallel_loop3A_216 = arith.constant 1 : i32
            %parallel_loop3A_217 = arith.index_cast %parallel_loop3A_89 : i32 to index
            %parallel_loop3A_218 = arith.index_cast %parallel_loop3A_215 : i32 to index
            %parallel_loop3A_219 = arith.index_cast %parallel_loop3A_180 : i32 to index
            %parallel_loop3A_220 = arith.index_cast %parallel_loop3A_216 : i32 to index
            %parallel_loop3A_221 = arith.index_cast %parallel_loop3A_198 : i32 to index
            %parallel_loop3A_222 = tpu.vector_load %arg9[%parallel_loop3A_217, %parallel_loop3A_218, %parallel_loop3A_219, %parallel_loop3A_220, %parallel_loop3A_221] {strides = array<i32>} : memref<10x2x2x8x128xf32, #tpu.memory_space<vmem>>, vector<16xf32>,
            tpu.vector_store %arg9[%parallel_loop3A_217, %parallel_loop3A_218, %parallel_loop3A_219, %parallel_loop3A_220, %parallel_loop3A_221], %parallel_loop3A_214 {strides = array<i32>} : memref<10x2x2x8x128xf32, #tpu.memory_space<vmem>>, vector<16xf32>,
            %parallel_loop3A_223 = arith.constant 2 : i32
            %parallel_loop3A_224 = vector.broadcast %parallel_loop3A_223 : i32 to vector<16xi32>
            %parallel_loop3A_225 = arith.addi %parallel_loop3A_156, %parallel_loop3A_224 : vector<16xi32>
            %parallel_loop3A_226 = tpu.vector_load_idx %arg7[%parallel_loop3A_225] : memref<17408xf32, #tpu.memory_space<vmem>>[vector<16xi32>], vector<16xf32>,
            %parallel_loop3A_227 = arith.constant 0 : i32
            %parallel_loop3A_228 = arith.constant 2 : i32
            %parallel_loop3A_229 = arith.index_cast %parallel_loop3A_89 : i32 to index
            %parallel_loop3A_230 = arith.index_cast %parallel_loop3A_227 : i32 to index
            %parallel_loop3A_231 = arith.index_cast %parallel_loop3A_180 : i32 to index
            %parallel_loop3A_232 = arith.index_cast %parallel_loop3A_228 : i32 to index
            %parallel_loop3A_233 = arith.index_cast %parallel_loop3A_198 : i32 to index
            %parallel_loop3A_234 = tpu.vector_load %arg9[%parallel_loop3A_229, %parallel_loop3A_230, %parallel_loop3A_231, %parallel_loop3A_232, %parallel_loop3A_233] {strides = array<i32>} : memref<10x2x2x8x128xf32, #tpu.memory_space<vmem>>, vector<16xf32>,
            tpu.vector_store %arg9[%parallel_loop3A_229, %parallel_loop3A_230, %parallel_loop3A_231, %parallel_loop3A_232, %parallel_loop3A_233], %parallel_loop3A_226 {strides = array<i32>} : memref<10x2x2x8x128xf32, #tpu.memory_space<vmem>>, vector<16xf32>,
            %parallel_loop3A_235 = arith.constant 3 : i32
            %parallel_loop3A_236 = vector.broadcast %parallel_loop3A_235 : i32 to vector<16xi32>
            %parallel_loop3A_237 = arith.addi %parallel_loop3A_156, %parallel_loop3A_236 : vector<16xi32>
            %parallel_loop3A_238 = tpu.vector_load_idx %arg7[%parallel_loop3A_237] : memref<17408xf32, #tpu.memory_space<vmem>>[vector<16xi32>], vector<16xf32>,
            %parallel_loop3A_239 = arith.constant 0 : i32
            %parallel_loop3A_240 = arith.constant 3 : i32
            %parallel_loop3A_241 = arith.index_cast %parallel_loop3A_89 : i32 to index
            %parallel_loop3A_242 = arith.index_cast %parallel_loop3A_239 : i32 to index
            %parallel_loop3A_243 = arith.index_cast %parallel_loop3A_180 : i32 to index
            %parallel_loop3A_244 = arith.index_cast %parallel_loop3A_240 : i32 to index
            %parallel_loop3A_245 = arith.index_cast %parallel_loop3A_198 : i32 to index
            %parallel_loop3A_246 = tpu.vector_load %arg9[%parallel_loop3A_241, %parallel_loop3A_242, %parallel_loop3A_243, %parallel_loop3A_244, %parallel_loop3A_245] {strides = array<i32>} : memref<10x2x2x8x128xf32, #tpu.memory_space<vmem>>, vector<16xf32>,
            tpu.vector_store %arg9[%parallel_loop3A_241, %parallel_loop3A_242, %parallel_loop3A_243, %parallel_loop3A_244, %parallel_loop3A_245], %parallel_loop3A_238 {strides = array<i32>} : memref<10x2x2x8x128xf32, #tpu.memory_space<vmem>>, vector<16xf32>,
            %parallel_loop3A_247 = arith.constant 4 : i32
            %parallel_loop3A_248 = vector.broadcast %parallel_loop3A_247 : i32 to vector<16xi32>
            %parallel_loop3A_249 = arith.addi %parallel_loop3A_156, %parallel_loop3A_248 : vector<16xi32>
            %parallel_loop3A_250 = tpu.vector_load_idx %arg7[%parallel_loop3A_249] : memref<17408xf32, #tpu.memory_space<vmem>>[vector<16xi32>], vector<16xf32>,
            %parallel_loop3A_251 = arith.constant 0 : i32
            %parallel_loop3A_252 = arith.constant 4 : i32
            %parallel_loop3A_253 = arith.index_cast %parallel_loop3A_89 : i32 to index
            %parallel_loop3A_254 = arith.index_cast %parallel_loop3A_251 : i32 to index
            %parallel_loop3A_255 = arith.index_cast %parallel_loop3A_180 : i32 to index
            %parallel_loop3A_256 = arith.index_cast %parallel_loop3A_252 : i32 to index
            %parallel_loop3A_257 = arith.index_cast %parallel_loop3A_198 : i32 to index
            %parallel_loop3A_258 = tpu.vector_load %arg9[%parallel_loop3A_253, %parallel_loop3A_254, %parallel_loop3A_255, %parallel_loop3A_256, %parallel_loop3A_257] {strides = array<i32>} : memref<10x2x2x8x128xf32, #tpu.memory_space<vmem>>, vector<16xf32>,
            tpu.vector_store %arg9[%parallel_loop3A_253, %parallel_loop3A_254, %parallel_loop3A_255, %parallel_loop3A_256, %parallel_loop3A_257], %parallel_loop3A_250 {strides = array<i32>} : memref<10x2x2x8x128xf32, #tpu.memory_space<vmem>>, vector<16xf32>,
            %parallel_loop3A_259 = arith.constant 5 : i32
            %parallel_loop3A_260 = vector.broadcast %parallel_loop3A_259 : i32 to vector<16xi32>
            %parallel_loop3A_261 = arith.addi %parallel_loop3A_156, %parallel_loop3A_260 : vector<16xi32>
            %parallel_loop3A_262 = tpu.vector_load_idx %arg7[%parallel_loop3A_261] : memref<17408xf32, #tpu.memory_space<vmem>>[vector<16xi32>], vector<16xf32>,
            %parallel_loop3A_263 = arith.constant 0 : i32
            %parallel_loop3A_264 = arith.constant 5 : i32
            %parallel_loop3A_265 = arith.index_cast %parallel_loop3A_89 : i32 to index
            %parallel_loop3A_266 = arith.index_cast %parallel_loop3A_263 : i32 to index
            %parallel_loop3A_267 = arith.index_cast %parallel_loop3A_180 : i32 to index
            %parallel_loop3A_268 = arith.index_cast %parallel_loop3A_264 : i32 to index
            %parallel_loop3A_269 = arith.index_cast %parallel_loop3A_198 : i32 to index
            %parallel_loop3A_270 = tpu.vector_load %arg9[%parallel_loop3A_265, %parallel_loop3A_266, %parallel_loop3A_267, %parallel_loop3A_268, %parallel_loop3A_269] {strides = array<i32>} : memref<10x2x2x8x128xf32, #tpu.memory_space<vmem>>, vector<16xf32>,
            tpu.vector_store %arg9[%parallel_loop3A_265, %parallel_loop3A_266, %parallel_loop3A_267, %parallel_loop3A_268, %parallel_loop3A_269], %parallel_loop3A_262 {strides = array<i32>} : memref<10x2x2x8x128xf32, #tpu.memory_space<vmem>>, vector<16xf32>,
            %parallel_loop3A_271 = arith.constant 6 : i32
            %parallel_loop3A_272 = vector.broadcast %parallel_loop3A_271 : i32 to vector<16xi32>
            %parallel_loop3A_273 = arith.addi %parallel_loop3A_156, %parallel_loop3A_272 : vector<16xi32>
            %parallel_loop3A_274 = tpu.vector_load_idx %arg7[%parallel_loop3A_273] : memref<17408xf32, #tpu.memory_space<vmem>>[vector<16xi32>], vector<16xf32>,
            %parallel_loop3A_275 = arith.constant 0 : i32
            %parallel_loop3A_276 = arith.constant 6 : i32
            %parallel_loop3A_277 = arith.index_cast %parallel_loop3A_89 : i32 to index
            %parallel_loop3A_278 = arith.index_cast %parallel_loop3A_275 : i32 to index
            %parallel_loop3A_279 = arith.index_cast %parallel_loop3A_180 : i32 to index
            %parallel_loop3A_280 = arith.index_cast %parallel_loop3A_276 : i32 to index
            %parallel_loop3A_281 = arith.index_cast %parallel_loop3A_198 : i32 to index
            %parallel_loop3A_282 = tpu.vector_load %arg9[%parallel_loop3A_277, %parallel_loop3A_278, %parallel_loop3A_279, %parallel_loop3A_280, %parallel_loop3A_281] {strides = array<i32>} : memref<10x2x2x8x128xf32, #tpu.memory_space<vmem>>, vector<16xf32>,
            tpu.vector_store %arg9[%parallel_loop3A_277, %parallel_loop3A_278, %parallel_loop3A_279, %parallel_loop3A_280, %parallel_loop3A_281], %parallel_loop3A_274 {strides = array<i32>} : memref<10x2x2x8x128xf32, #tpu.memory_space<vmem>>, vector<16xf32>,
            %parallel_loop3A_283 = arith.constant 7 : i32
            %parallel_loop3A_284 = vector.broadcast %parallel_loop3A_283 : i32 to vector<16xi32>
            %parallel_loop3A_285 = arith.addi %parallel_loop3A_156, %parallel_loop3A_284 : vector<16xi32>
            %parallel_loop3A_286 = tpu.vector_load_idx %arg7[%parallel_loop3A_285] : memref<17408xf32, #tpu.memory_space<vmem>>[vector<16xi32>], vector<16xf32>,
            %parallel_loop3A_287 = arith.constant 0 : i32
            %parallel_loop3A_288 = arith.constant 7 : i32
            %parallel_loop3A_289 = arith.index_cast %parallel_loop3A_89 : i32 to index
            %parallel_loop3A_290 = arith.index_cast %parallel_loop3A_287 : i32 to index
            %parallel_loop3A_291 = arith.index_cast %parallel_loop3A_180 : i32 to index
            %parallel_loop3A_292 = arith.index_cast %parallel_loop3A_288 : i32 to index
            %parallel_loop3A_293 = arith.index_cast %parallel_loop3A_198 : i32 to index
            %parallel_loop3A_294 = tpu.vector_load %arg9[%parallel_loop3A_289, %parallel_loop3A_290, %parallel_loop3A_291, %parallel_loop3A_292, %parallel_loop3A_293] {strides = array<i32>} : memref<10x2x2x8x128xf32, #tpu.memory_space<vmem>>, vector<16xf32>,
            tpu.vector_store %arg9[%parallel_loop3A_289, %parallel_loop3A_290, %parallel_loop3A_291, %parallel_loop3A_292, %parallel_loop3A_293], %parallel_loop3A_286 {strides = array<i32>} : memref<10x2x2x8x128xf32, #tpu.memory_space<vmem>>, vector<16xf32>,
            %parallel_loop3A_295 = arith.constant 8 : i32
            %parallel_loop3A_296 = vector.broadcast %parallel_loop3A_295 : i32 to vector<16xi32>
            %parallel_loop3A_297 = arith.addi %parallel_loop3A_156, %parallel_loop3A_296 : vector<16xi32>
            %parallel_loop3A_298 = tpu.vector_load_idx %arg7[%parallel_loop3A_297] : memref<17408xf32, #tpu.memory_space<vmem>>[vector<16xi32>], vector<16xf32>,
            %parallel_loop3A_299 = arith.constant 1 : i32
            %parallel_loop3A_300 = arith.constant 0 : i32
            %parallel_loop3A_301 = arith.index_cast %parallel_loop3A_89 : i32 to index
            %parallel_loop3A_302 = arith.index_cast %parallel_loop3A_299 : i32 to index
            %parallel_loop3A_303 = arith.index_cast %parallel_loop3A_180 : i32 to index
            %parallel_loop3A_304 = arith.index_cast %parallel_loop3A_300 : i32 to index
            %parallel_loop3A_305 = arith.index_cast %parallel_loop3A_198 : i32 to index
            %parallel_loop3A_306 = tpu.vector_load %arg9[%parallel_loop3A_301, %parallel_loop3A_302, %parallel_loop3A_303, %parallel_loop3A_304, %parallel_loop3A_305] {strides = array<i32>} : memref<10x2x2x8x128xf32, #tpu.memory_space<vmem>>, vector<16xf32>,
            tpu.vector_store %arg9[%parallel_loop3A_301, %parallel_loop3A_302, %parallel_loop3A_303, %parallel_loop3A_304, %parallel_loop3A_305], %parallel_loop3A_298 {strides = array<i32>} : memref<10x2x2x8x128xf32, #tpu.memory_space<vmem>>, vector<16xf32>,
            %parallel_loop3A_307 = arith.constant 9 : i32
            %parallel_loop3A_308 = vector.broadcast %parallel_loop3A_307 : i32 to vector<16xi32>
            %parallel_loop3A_309 = arith.addi %parallel_loop3A_156, %parallel_loop3A_308 : vector<16xi32>
            %parallel_loop3A_310 = tpu.vector_load_idx %arg7[%parallel_loop3A_309] : memref<17408xf32, #tpu.memory_space<vmem>>[vector<16xi32>], vector<16xf32>,
            %parallel_loop3A_311 = arith.constant 1 : i32
            %parallel_loop3A_312 = arith.constant 1 : i32
            %parallel_loop3A_313 = arith.index_cast %parallel_loop3A_89 : i32 to index
            %parallel_loop3A_314 = arith.index_cast %parallel_loop3A_311 : i32 to index
            %parallel_loop3A_315 = arith.index_cast %parallel_loop3A_180 : i32 to index
            %parallel_loop3A_316 = arith.index_cast %parallel_loop3A_312 : i32 to index
            %parallel_loop3A_317 = arith.index_cast %parallel_loop3A_198 : i32 to index
            %parallel_loop3A_318 = tpu.vector_load %arg9[%parallel_loop3A_313, %parallel_loop3A_314, %parallel_loop3A_315, %parallel_loop3A_316, %parallel_loop3A_317] {strides = array<i32>} : memref<10x2x2x8x128xf32, #tpu.memory_space<vmem>>, vector<16xf32>,
            tpu.vector_store %arg9[%parallel_loop3A_313, %parallel_loop3A_314, %parallel_loop3A_315, %parallel_loop3A_316, %parallel_loop3A_317], %parallel_loop3A_310 {strides = array<i32>} : memref<10x2x2x8x128xf32, #tpu.memory_space<vmem>>, vector<16xf32>,
            %parallel_loop3A_319 = arith.constant 10 : i32
            %parallel_loop3A_320 = vector.broadcast %parallel_loop3A_319 : i32 to vector<16xi32>
            %parallel_loop3A_321 = arith.addi %parallel_loop3A_156, %parallel_loop3A_320 : vector<16xi32>
            %parallel_loop3A_322 = tpu.vector_load_idx %arg7[%parallel_loop3A_321] : memref<17408xf32, #tpu.memory_space<vmem>>[vector<16xi32>], vector<16xf32>,
            %parallel_loop3A_323 = arith.constant 1 : i32
            %parallel_loop3A_324 = arith.constant 2 : i32
            %parallel_loop3A_325 = arith.index_cast %parallel_loop3A_89 : i32 to index
            %parallel_loop3A_326 = arith.index_cast %parallel_loop3A_323 : i32 to index
            %parallel_loop3A_327 = arith.index_cast %parallel_loop3A_180 : i32 to index
            %parallel_loop3A_328 = arith.index_cast %parallel_loop3A_324 : i32 to index
            %parallel_loop3A_329 = arith.index_cast %parallel_loop3A_198 : i32 to index
            %parallel_loop3A_330 = tpu.vector_load %arg9[%parallel_loop3A_325, %parallel_loop3A_326, %parallel_loop3A_327, %parallel_loop3A_328, %parallel_loop3A_329] {strides = array<i32>} : memref<10x2x2x8x128xf32, #tpu.memory_space<vmem>>, vector<16xf32>,
            tpu.vector_store %arg9[%parallel_loop3A_325, %parallel_loop3A_326, %parallel_loop3A_327, %parallel_loop3A_328, %parallel_loop3A_329], %parallel_loop3A_322 {strides = array<i32>} : memref<10x2x2x8x128xf32, #tpu.memory_space<vmem>>, vector<16xf32>,
            %parallel_loop3A_331 = arith.constant 11 : i32
            %parallel_loop3A_332 = vector.broadcast %parallel_loop3A_331 : i32 to vector<16xi32>
            %parallel_loop3A_333 = arith.addi %parallel_loop3A_156, %parallel_loop3A_332 : vector<16xi32>
            %parallel_loop3A_334 = tpu.vector_load_idx %arg7[%parallel_loop3A_333] : memref<17408xf32, #tpu.memory_space<vmem>>[vector<16xi32>], vector<16xf32>,
            %parallel_loop3A_335 = arith.constant 1 : i32
            %parallel_loop3A_336 = arith.constant 3 : i32
            %parallel_loop3A_337 = arith.index_cast %parallel_loop3A_89 : i32 to index
            %parallel_loop3A_338 = arith.index_cast %parallel_loop3A_335 : i32 to index
            %parallel_loop3A_339 = arith.index_cast %parallel_loop3A_180 : i32 to index
            %parallel_loop3A_340 = arith.index_cast %parallel_loop3A_336 : i32 to index
            %parallel_loop3A_341 = arith.index_cast %parallel_loop3A_198 : i32 to index
            %parallel_loop3A_342 = tpu.vector_load %arg9[%parallel_loop3A_337, %parallel_loop3A_338, %parallel_loop3A_339, %parallel_loop3A_340, %parallel_loop3A_341] {strides = array<i32>} : memref<10x2x2x8x128xf32, #tpu.memory_space<vmem>>, vector<16xf32>,
            tpu.vector_store %arg9[%parallel_loop3A_337, %parallel_loop3A_338, %parallel_loop3A_339, %parallel_loop3A_340, %parallel_loop3A_341], %parallel_loop3A_334 {strides = array<i32>} : memref<10x2x2x8x128xf32, #tpu.memory_space<vmem>>, vector<16xf32>,
            %parallel_loop3A_343 = arith.constant 12 : i32
            %parallel_loop3A_344 = vector.broadcast %parallel_loop3A_343 : i32 to vector<16xi32>
            %parallel_loop3A_345 = arith.addi %parallel_loop3A_156, %parallel_loop3A_344 : vector<16xi32>
            %parallel_loop3A_346 = tpu.vector_load_idx %arg7[%parallel_loop3A_345] : memref<17408xf32, #tpu.memory_space<vmem>>[vector<16xi32>], vector<16xf32>,
            %parallel_loop3A_347 = arith.constant 1 : i32
            %parallel_loop3A_348 = arith.constant 4 : i32
            %parallel_loop3A_349 = arith.index_cast %parallel_loop3A_89 : i32 to index
            %parallel_loop3A_350 = arith.index_cast %parallel_loop3A_347 : i32 to index
            %parallel_loop3A_351 = arith.index_cast %parallel_loop3A_180 : i32 to index
            %parallel_loop3A_352 = arith.index_cast %parallel_loop3A_348 : i32 to index
            %parallel_loop3A_353 = arith.index_cast %parallel_loop3A_198 : i32 to index
            %parallel_loop3A_354 = tpu.vector_load %arg9[%parallel_loop3A_349, %parallel_loop3A_350, %parallel_loop3A_351, %parallel_loop3A_352, %parallel_loop3A_353] {strides = array<i32>} : memref<10x2x2x8x128xf32, #tpu.memory_space<vmem>>, vector<16xf32>,
            tpu.vector_store %arg9[%parallel_loop3A_349, %parallel_loop3A_350, %parallel_loop3A_351, %parallel_loop3A_352, %parallel_loop3A_353], %parallel_loop3A_346 {strides = array<i32>} : memref<10x2x2x8x128xf32, #tpu.memory_space<vmem>>, vector<16xf32>,
            %parallel_loop3A_355 = arith.constant 13 : i32
            %parallel_loop3A_356 = vector.broadcast %parallel_loop3A_355 : i32 to vector<16xi32>
            %parallel_loop3A_357 = arith.addi %parallel_loop3A_156, %parallel_loop3A_356 : vector<16xi32>
            %parallel_loop3A_358 = tpu.vector_load_idx %arg7[%parallel_loop3A_357] : memref<17408xf32, #tpu.memory_space<vmem>>[vector<16xi32>], vector<16xf32>,
            %parallel_loop3A_359 = arith.constant 1 : i32
            %parallel_loop3A_360 = arith.constant 5 : i32
            %parallel_loop3A_361 = arith.index_cast %parallel_loop3A_89 : i32 to index
            %parallel_loop3A_362 = arith.index_cast %parallel_loop3A_359 : i32 to index
            %parallel_loop3A_363 = arith.index_cast %parallel_loop3A_180 : i32 to index
            %parallel_loop3A_364 = arith.index_cast %parallel_loop3A_360 : i32 to index
            %parallel_loop3A_365 = arith.index_cast %parallel_loop3A_198 : i32 to index
            %parallel_loop3A_366 = tpu.vector_load %arg9[%parallel_loop3A_361, %parallel_loop3A_362, %parallel_loop3A_363, %parallel_loop3A_364, %parallel_loop3A_365] {strides = array<i32>} : memref<10x2x2x8x128xf32, #tpu.memory_space<vmem>>, vector<16xf32>,
            tpu.vector_store %arg9[%parallel_loop3A_361, %parallel_loop3A_362, %parallel_loop3A_363, %parallel_loop3A_364, %parallel_loop3A_365], %parallel_loop3A_358 {strides = array<i32>} : memref<10x2x2x8x128xf32, #tpu.memory_space<vmem>>, vector<16xf32>,
            %parallel_loop3A_367 = arith.constant 14 : i32
            %parallel_loop3A_368 = vector.broadcast %parallel_loop3A_367 : i32 to vector<16xi32>
            %parallel_loop3A_369 = arith.addi %parallel_loop3A_156, %parallel_loop3A_368 : vector<16xi32>
            %parallel_loop3A_370 = tpu.vector_load_idx %arg7[%parallel_loop3A_369] : memref<17408xf32, #tpu.memory_space<vmem>>[vector<16xi32>], vector<16xf32>,
            %parallel_loop3A_371 = arith.constant 1 : i32
            %parallel_loop3A_372 = arith.constant 6 : i32
            %parallel_loop3A_373 = arith.index_cast %parallel_loop3A_89 : i32 to index
            %parallel_loop3A_374 = arith.index_cast %parallel_loop3A_371 : i32 to index
            %parallel_loop3A_375 = arith.index_cast %parallel_loop3A_180 : i32 to index
            %parallel_loop3A_376 = arith.index_cast %parallel_loop3A_372 : i32 to index
            %parallel_loop3A_377 = arith.index_cast %parallel_loop3A_198 : i32 to index
            %parallel_loop3A_378 = tpu.vector_load %arg9[%parallel_loop3A_373, %parallel_loop3A_374, %parallel_loop3A_375, %parallel_loop3A_376, %parallel_loop3A_377] {strides = array<i32>} : memref<10x2x2x8x128xf32, #tpu.memory_space<vmem>>, vector<16xf32>,
            tpu.vector_store %arg9[%parallel_loop3A_373, %parallel_loop3A_374, %parallel_loop3A_375, %parallel_loop3A_376, %parallel_loop3A_377], %parallel_loop3A_370 {strides = array<i32>} : memref<10x2x2x8x128xf32, #tpu.memory_space<vmem>>, vector<16xf32>,
            %parallel_loop3A_379 = arith.constant 15 : i32
            %parallel_loop3A_380 = vector.broadcast %parallel_loop3A_379 : i32 to vector<16xi32>
            %parallel_loop3A_381 = arith.addi %parallel_loop3A_156, %parallel_loop3A_380 : vector<16xi32>
            %parallel_loop3A_382 = tpu.vector_load_idx %arg7[%parallel_loop3A_381] : memref<17408xf32, #tpu.memory_space<vmem>>[vector<16xi32>], vector<16xf32>,
            %parallel_loop3A_383 = arith.constant 1 : i32
            %parallel_loop3A_384 = arith.constant 7 : i32
            %parallel_loop3A_385 = arith.index_cast %parallel_loop3A_89 : i32 to index
            %parallel_loop3A_386 = arith.index_cast %parallel_loop3A_383 : i32 to index
            %parallel_loop3A_387 = arith.index_cast %parallel_loop3A_180 : i32 to index
            %parallel_loop3A_388 = arith.index_cast %parallel_loop3A_384 : i32 to index
            %parallel_loop3A_389 = arith.index_cast %parallel_loop3A_198 : i32 to index
            %parallel_loop3A_390 = tpu.vector_load %arg9[%parallel_loop3A_385, %parallel_loop3A_386, %parallel_loop3A_387, %parallel_loop3A_388, %parallel_loop3A_389] {strides = array<i32>} : memref<10x2x2x8x128xf32, #tpu.memory_space<vmem>>, vector<16xf32>,
            tpu.vector_store %arg9[%parallel_loop3A_385, %parallel_loop3A_386, %parallel_loop3A_387, %parallel_loop3A_388, %parallel_loop3A_389], %parallel_loop3A_382 {strides = array<i32>} : memref<10x2x2x8x128xf32, #tpu.memory_space<vmem>>, vector<16xf32>,
          } {sc.loop_unroll_factor = 4 : i64, sc.parallel_access}
        } {sc.loop_unroll_factor = 1 : i64, sc.parallel_access}
        %dma_start3A = arith.constant 0 : i32
        %dma_start3A_62 = arith.constant 0 : i32
        %dma_start3A_63 = arith.constant 0 : i32
        %dma_start3A_64 = tpu.memref_slice %arg5[%mul3A_57, %dma_start3A, %select_n3A, %dma_start3A_62, %dma_start3A_63] : memref<100x2x128x8x128xf32, #tpu.memory_space<hbm>> -> memref<10x2x2x8x128xf32, #tpu.memory_space<hbm>>
        %dma_start3A_65 = arith.constant 0 : i32
        %dma_start3A_66 = arith.constant 0 : i32
        %dma_start3A_67 = arith.constant 0 : i32
        %dma_start3A_68 = tpu.memref_slice %arg5[%mul3A_57, %dma_start3A_65, %select_n3A, %dma_start3A_66, %dma_start3A_67] : memref<100x2x128x8x128xf32, #tpu.memory_space<hbm>> -> memref<10x2x2x8x128xf32, #tpu.memory_space<hbm>>
        tpu.enqueue_dma source(%arg9 : memref<10x2x2x8x128xf32, #tpu.memory_space<vmem>>) target(%dma_start3A_68 : memref<10x2x2x8x128xf32, #tpu.memory_space<hbm>>) target_semaphore(%arg11 : memref<!tpu.dma_semaphore, #tpu.memory_space<semaphore_mem>>)
        %gt3A_69 = arith.constant 0 : i32
        %gt3A_70 = arith.cmpi sgt, %scan3A_53, %gt3A_69 : i32
        %convert_element_type3A_71 = arith.extui %gt3A_70 : i1 to i32
        %cond3A_72 = arith.constant 0 : i32
        %cond3A_73 = arith.cmpi ne, %convert_element_type3A_71, %cond3A_72 : i32
        scf.if %cond3A_73 {
          %dma_wait3A_89 = arith.constant 0 : i32
          %dma_wait3A_90 = arith.constant 0 : i32
          %dma_wait3A_91 = arith.constant 0 : i32
          %dma_wait3A_92 = arith.constant 0 : i32
          %dma_wait3A_93 = tpu.memref_slice %arg5[%dma_wait3A_89, %dma_wait3A_90, %select_n3A, %dma_wait3A_91, %dma_wait3A_92] : memref<100x2x128x8x128xf32, #tpu.memory_space<hbm>> -> memref<10x2x2x8x128xf32, #tpu.memory_space<hbm>>
          %dma_wait3A_94 = arith.constant 0 : i32
          %dma_wait3A_95 = arith.constant 0 : i32
          %dma_wait3A_96 = arith.constant 0 : i32
          %dma_wait3A_97 = arith.constant 0 : i32
          %dma_wait3A_98 = tpu.memref_slice %arg5[%dma_wait3A_94, %dma_wait3A_95, %select_n3A, %dma_wait3A_96, %dma_wait3A_97] : memref<100x2x128x8x128xf32, #tpu.memory_space<hbm>> -> memref<10x2x2x8x128xf32, #tpu.memory_space<hbm>>
          tpu.wait_dma2 semaphore(%arg12 : memref<!tpu.dma_semaphore, #tpu.memory_space<semaphore_mem>>) src(%arg10 : memref<10x2x2x8x128xf32, #tpu.memory_space<vmem>>) dst(%dma_wait3A_98 : memref<10x2x2x8x128xf32, #tpu.memory_space<hbm>>)
        } else {
        }
        %add3A_74 = arith.constant 10 : i32
        %add3A_75 = arith.addi %mul3A_57, %add3A_74 : i32
        %parallel_loop3A_76 = arith.constant 0 : i32
        %parallel_loop3A_77 = arith.constant 10 : i32
        %parallel_loop3A_78 = arith.constant 1 : i32
        scf.for %parallel_loop3A_89 = %parallel_loop3A_76 to %parallel_loop3A_77 step %parallel_loop3A_78  : i32 {
          %parallel_loop3A_90 = arith.addi %add3A_75, %parallel_loop3A_89 : i32
          %parallel_loop3A_91 = arith.constant 0 : i32
          %parallel_loop3A_92 = arith.constant 16 : i32
          %parallel_loop3A_93 = arith.constant 1 : i32
          scf.for %parallel_loop3A_94 = %parallel_loop3A_91 to %parallel_loop3A_92 step %parallel_loop3A_93  : i32 {
            %parallel_loop3A_95 = arith.constant 16 : i32
            %parallel_loop3A_96 = arith.muli %parallel_loop3A_94, %parallel_loop3A_95 : i32
            %parallel_loop3A_97 = arith.index_cast %parallel_loop3A_90 : i32 to index
            %parallel_loop3A_98 = arith.index_cast %parallel_loop3A_96 : i32 to index
            %parallel_loop3A_99 = tpu.vector_load %arg8[%parallel_loop3A_97, %parallel_loop3A_98] {strides = array<i32>} : memref<100x256xf32, #tpu.memory_space<vmem>>, vector<16xf32>,
            %parallel_loop3A_100 = arith.constant -3.000000e+00 : f32
            %parallel_loop3A_101 = vector.broadcast %parallel_loop3A_100 : f32 to vector<16xf32>
            %parallel_loop3A_102 = arith.subf %parallel_loop3A_99, %parallel_loop3A_101 : vector<16xf32>
            %parallel_loop3A_103 = arith.constant 170.333328 : f32
            %parallel_loop3A_104 = vector.broadcast %parallel_loop3A_103 : f32 to vector<16xf32>
            %parallel_loop3A_105 = arith.mulf %parallel_loop3A_102, %parallel_loop3A_104 : vector<16xf32>
            %parallel_loop3A_106 = arith.constant 0.000000e+00 : f32
            %parallel_loop3A_107 = arith.constant 1.023000e+03 : f32
            %parallel_loop3A_108 = vector.broadcast %parallel_loop3A_106 : f32 to vector<16xf32>
            %parallel_loop3A_109 = arith.maximumf %parallel_loop3A_108, %parallel_loop3A_105 : vector<16xf32>
            %parallel_loop3A_110 = vector.broadcast %parallel_loop3A_107 : f32 to vector<16xf32>
            %parallel_loop3A_111 = arith.minimumf %parallel_loop3A_110, %parallel_loop3A_109 : vector<16xf32>
            %parallel_loop3A_112 = arith.fptosi %parallel_loop3A_111 : vector<16xf32> to vector<16xi32>
            %parallel_loop3A_113 = arith.sitofp %parallel_loop3A_112 : vector<16xi32> to vector<16xf32>
            %parallel_loop3A_114 = arith.cmpf ogt, %parallel_loop3A_111, %parallel_loop3A_113 : vector<16xf32>
            %parallel_loop3A_115 = arith.constant 1 : i32
            %parallel_loop3A_116 = arith.constant 0 : i32
            %parallel_loop3A_117 = vector.broadcast %parallel_loop3A_115 : i32 to vector<16xi32>
            %parallel_loop3A_118 = vector.broadcast %parallel_loop3A_116 : i32 to vector<16xi32>
            %parallel_loop3A_119 = arith.select %parallel_loop3A_114, %parallel_loop3A_117, %parallel_loop3A_118 : vector<16xi1>, vector<16xi32>
            %parallel_loop3A_120 = arith.addi %parallel_loop3A_112, %parallel_loop3A_119 : vector<16xi32>
            %parallel_loop3A_121 = arith.constant 1022 : i32
            %parallel_loop3A_122 = vector.broadcast %parallel_loop3A_121 : i32 to vector<16xi32>
            %parallel_loop3A_123 = arith.minsi %parallel_loop3A_120, %parallel_loop3A_122 : vector<16xi32>
            %parallel_loop3A_124 = tpu.vector_load_idx %arg6[%parallel_loop3A_123] : memref<1023xf32, #tpu.memory_space<vmem>>[vector<16xi32>], vector<16xf32>,
            %parallel_loop3A_125 = arith.constant 1 : i32
            %parallel_loop3A_126 = vector.broadcast %parallel_loop3A_125 : i32 to vector<16xi32>
            %parallel_loop3A_127 = arith.subi %parallel_loop3A_120, %parallel_loop3A_126 : vector<16xi32>
            %parallel_loop3A_128 = arith.constant 0 : i32
            %parallel_loop3A_129 = vector.broadcast %parallel_loop3A_128 : i32 to vector<16xi32>
            %parallel_loop3A_130 = arith.maxsi %parallel_loop3A_127, %parallel_loop3A_129 : vector<16xi32>
            %parallel_loop3A_131 = tpu.vector_load_idx %arg6[%parallel_loop3A_130] : memref<1023xf32, #tpu.memory_space<vmem>>[vector<16xi32>], vector<16xf32>,
            %parallel_loop3A_132 = arith.constant 1023 : i32
            %parallel_loop3A_133 = vector.broadcast %parallel_loop3A_132 : i32 to vector<16xi32>
            %parallel_loop3A_134 = arith.cmpi slt, %parallel_loop3A_120, %parallel_loop3A_133 : vector<16xi32>
            %parallel_loop3A_135 = arith.cmpf olt, %parallel_loop3A_124, %parallel_loop3A_99 : vector<16xf32>
            %parallel_loop3A_136 = arith.andi %parallel_loop3A_134, %parallel_loop3A_135 : vector<16xi1>
            %parallel_loop3A_137 = arith.constant 1 : i32
            %parallel_loop3A_138 = arith.constant 0 : i32
            %parallel_loop3A_139 = vector.broadcast %parallel_loop3A_137 : i32 to vector<16xi32>
            %parallel_loop3A_140 = vector.broadcast %parallel_loop3A_138 : i32 to vector<16xi32>
            %parallel_loop3A_141 = arith.select %parallel_loop3A_136, %parallel_loop3A_139, %parallel_loop3A_140 : vector<16xi1>, vector<16xi32>
            %parallel_loop3A_142 = arith.constant 0 : i32
            %parallel_loop3A_143 = vector.broadcast %parallel_loop3A_142 : i32 to vector<16xi32>
            %parallel_loop3A_144 = arith.cmpi sgt, %parallel_loop3A_120, %parallel_loop3A_143 : vector<16xi32>
            %parallel_loop3A_145 = arith.cmpf oge, %parallel_loop3A_131, %parallel_loop3A_99 : vector<16xf32>
            %parallel_loop3A_146 = arith.andi %parallel_loop3A_144, %parallel_loop3A_145 : vector<16xi1>
            %parallel_loop3A_147 = arith.constant 1 : i32
            %parallel_loop3A_148 = arith.constant 0 : i32
            %parallel_loop3A_149 = vector.broadcast %parallel_loop3A_147 : i32 to vector<16xi32>
            %parallel_loop3A_150 = vector.broadcast %parallel_loop3A_148 : i32 to vector<16xi32>
            %parallel_loop3A_151 = arith.select %parallel_loop3A_146, %parallel_loop3A_149, %parallel_loop3A_150 : vector<16xi1>, vector<16xi32>
            %parallel_loop3A_152 = arith.addi %parallel_loop3A_120, %parallel_loop3A_141 : vector<16xi32>
            %parallel_loop3A_153 = arith.subi %parallel_loop3A_152, %parallel_loop3A_151 : vector<16xi32>
            %parallel_loop3A_154 = arith.constant 17 : i32
            %parallel_loop3A_155 = vector.broadcast %parallel_loop3A_154 : i32 to vector<16xi32>
            %parallel_loop3A_156 = arith.muli %parallel_loop3A_153, %parallel_loop3A_155 : vector<16xi32>
            %parallel_loop3A_157 = arith.constant 8 : i32
            %parallel_loop3A_158 = arith.divsi %parallel_loop3A_94, %parallel_loop3A_157 : i32
            %parallel_loop3A_159 = arith.constant 0 : i32
            %parallel_loop3A_160 = arith.cmpi sgt, %parallel_loop3A_94, %parallel_loop3A_159 : i32
            %parallel_loop3A_161 = arith.extui %parallel_loop3A_160 : i1 to i32
            %parallel_loop3A_162 = arith.constant 0 : i32
            %parallel_loop3A_163 = arith.cmpi slt, %parallel_loop3A_94, %parallel_loop3A_162 : i32
            %parallel_loop3A_164 = arith.extui %parallel_loop3A_163 : i1 to i32
            %parallel_loop3A_165 = arith.subi %parallel_loop3A_161, %parallel_loop3A_164 : i32
            %parallel_loop3A_166 = arith.constant 0 : i32
            %parallel_loop3A_167 = arith.cmpi sgt, %parallel_loop3A_157, %parallel_loop3A_166 : i32
            %parallel_loop3A_168 = arith.extui %parallel_loop3A_167 : i1 to i32
            %parallel_loop3A_169 = arith.constant 0 : i32
            %parallel_loop3A_170 = arith.cmpi slt, %parallel_loop3A_157, %parallel_loop3A_169 : i32
            %parallel_loop3A_171 = arith.extui %parallel_loop3A_170 : i1 to i32
            %parallel_loop3A_172 = arith.subi %parallel_loop3A_168, %parallel_loop3A_171 : i32
            %parallel_loop3A_173 = arith.cmpi ne, %parallel_loop3A_165, %parallel_loop3A_172 : i32
            %parallel_loop3A_174 = arith.remsi %parallel_loop3A_94, %parallel_loop3A_157 : i32
            %parallel_loop3A_175 = arith.constant 0 : i32
            %parallel_loop3A_176 = arith.cmpi ne, %parallel_loop3A_174, %parallel_loop3A_175 : i32
            %parallel_loop3A_177 = arith.andi %parallel_loop3A_173, %parallel_loop3A_176 : i1
            %parallel_loop3A_178 = arith.constant 1 : i32
            %parallel_loop3A_179 = arith.subi %parallel_loop3A_158, %parallel_loop3A_178 : i32
            %parallel_loop3A_180 = arith.select %parallel_loop3A_177, %parallel_loop3A_179, %parallel_loop3A_158 : i32
            %parallel_loop3A_181 = arith.constant 8 : i32
            %parallel_loop3A_182 = arith.constant 0 : i32
            %parallel_loop3A_183 = arith.cmpi eq, %parallel_loop3A_181, %parallel_loop3A_182 : i32
            %parallel_loop3A_184 = arith.constant 1 : i32
            %parallel_loop3A_185 = arith.select %parallel_loop3A_183, %parallel_loop3A_184, %parallel_loop3A_181 : i32
            %parallel_loop3A_186 = arith.remsi %parallel_loop3A_94, %parallel_loop3A_185 : i32
            %parallel_loop3A_187 = arith.constant 0 : i32
            %parallel_loop3A_188 = arith.cmpi ne, %parallel_loop3A_186, %parallel_loop3A_187 : i32
            %parallel_loop3A_189 = arith.constant 0 : i32
            %parallel_loop3A_190 = arith.cmpi slt, %parallel_loop3A_186, %parallel_loop3A_189 : i32
            %parallel_loop3A_191 = arith.constant 0 : i32
            %parallel_loop3A_192 = arith.cmpi slt, %parallel_loop3A_185, %parallel_loop3A_191 : i32
            %parallel_loop3A_193 = arith.xori %parallel_loop3A_190, %parallel_loop3A_192 : i1
            %parallel_loop3A_194 = arith.andi %parallel_loop3A_193, %parallel_loop3A_188 : i1
            %parallel_loop3A_195 = arith.addi %parallel_loop3A_186, %parallel_loop3A_185 : i32
            %parallel_loop3A_196 = arith.select %parallel_loop3A_194, %parallel_loop3A_195, %parallel_loop3A_186 : i32
            %parallel_loop3A_197 = arith.constant 16 : i32
            %parallel_loop3A_198 = arith.muli %parallel_loop3A_196, %parallel_loop3A_197 : i32
            %parallel_loop3A_199 = arith.constant 0 : i32
            %parallel_loop3A_200 = vector.broadcast %parallel_loop3A_199 : i32 to vector<16xi32>
            %parallel_loop3A_201 = arith.addi %parallel_loop3A_156, %parallel_loop3A_200 : vector<16xi32>
            %parallel_loop3A_202 = tpu.vector_load_idx %arg7[%parallel_loop3A_201] : memref<17408xf32, #tpu.memory_space<vmem>>[vector<16xi32>], vector<16xf32>,
            %parallel_loop3A_203 = arith.constant 0 : i32
            %parallel_loop3A_204 = arith.constant 0 : i32
            %parallel_loop3A_205 = arith.index_cast %parallel_loop3A_89 : i32 to index
            %parallel_loop3A_206 = arith.index_cast %parallel_loop3A_203 : i32 to index
            %parallel_loop3A_207 = arith.index_cast %parallel_loop3A_180 : i32 to index
            %parallel_loop3A_208 = arith.index_cast %parallel_loop3A_204 : i32 to index
            %parallel_loop3A_209 = arith.index_cast %parallel_loop3A_198 : i32 to index
            %parallel_loop3A_210 = tpu.vector_load %arg10[%parallel_loop3A_205, %parallel_loop3A_206, %parallel_loop3A_207, %parallel_loop3A_208, %parallel_loop3A_209] {strides = array<i32>} : memref<10x2x2x8x128xf32, #tpu.memory_space<vmem>>, vector<16xf32>,
            tpu.vector_store %arg10[%parallel_loop3A_205, %parallel_loop3A_206, %parallel_loop3A_207, %parallel_loop3A_208, %parallel_loop3A_209], %parallel_loop3A_202 {strides = array<i32>} : memref<10x2x2x8x128xf32, #tpu.memory_space<vmem>>, vector<16xf32>,
            %parallel_loop3A_211 = arith.constant 1 : i32
            %parallel_loop3A_212 = vector.broadcast %parallel_loop3A_211 : i32 to vector<16xi32>
            %parallel_loop3A_213 = arith.addi %parallel_loop3A_156, %parallel_loop3A_212 : vector<16xi32>
            %parallel_loop3A_214 = tpu.vector_load_idx %arg7[%parallel_loop3A_213] : memref<17408xf32, #tpu.memory_space<vmem>>[vector<16xi32>], vector<16xf32>,
            %parallel_loop3A_215 = arith.constant 0 : i32
            %parallel_loop3A_216 = arith.constant 1 : i32
            %parallel_loop3A_217 = arith.index_cast %parallel_loop3A_89 : i32 to index
            %parallel_loop3A_218 = arith.index_cast %parallel_loop3A_215 : i32 to index
            %parallel_loop3A_219 = arith.index_cast %parallel_loop3A_180 : i32 to index
            %parallel_loop3A_220 = arith.index_cast %parallel_loop3A_216 : i32 to index
            %parallel_loop3A_221 = arith.index_cast %parallel_loop3A_198 : i32 to index
            %parallel_loop3A_222 = tpu.vector_load %arg10[%parallel_loop3A_217, %parallel_loop3A_218, %parallel_loop3A_219, %parallel_loop3A_220, %parallel_loop3A_221] {strides = array<i32>} : memref<10x2x2x8x128xf32, #tpu.memory_space<vmem>>, vector<16xf32>,
            tpu.vector_store %arg10[%parallel_loop3A_217, %parallel_loop3A_218, %parallel_loop3A_219, %parallel_loop3A_220, %parallel_loop3A_221], %parallel_loop3A_214 {strides = array<i32>} : memref<10x2x2x8x128xf32, #tpu.memory_space<vmem>>, vector<16xf32>,
            %parallel_loop3A_223 = arith.constant 2 : i32
            %parallel_loop3A_224 = vector.broadcast %parallel_loop3A_223 : i32 to vector<16xi32>
            %parallel_loop3A_225 = arith.addi %parallel_loop3A_156, %parallel_loop3A_224 : vector<16xi32>
            %parallel_loop3A_226 = tpu.vector_load_idx %arg7[%parallel_loop3A_225] : memref<17408xf32, #tpu.memory_space<vmem>>[vector<16xi32>], vector<16xf32>,
            %parallel_loop3A_227 = arith.constant 0 : i32
            %parallel_loop3A_228 = arith.constant 2 : i32
            %parallel_loop3A_229 = arith.index_cast %parallel_loop3A_89 : i32 to index
            %parallel_loop3A_230 = arith.index_cast %parallel_loop3A_227 : i32 to index
            %parallel_loop3A_231 = arith.index_cast %parallel_loop3A_180 : i32 to index
            %parallel_loop3A_232 = arith.index_cast %parallel_loop3A_228 : i32 to index
            %parallel_loop3A_233 = arith.index_cast %parallel_loop3A_198 : i32 to index
            %parallel_loop3A_234 = tpu.vector_load %arg10[%parallel_loop3A_229, %parallel_loop3A_230, %parallel_loop3A_231, %parallel_loop3A_232, %parallel_loop3A_233] {strides = array<i32>} : memref<10x2x2x8x128xf32, #tpu.memory_space<vmem>>, vector<16xf32>,
            tpu.vector_store %arg10[%parallel_loop3A_229, %parallel_loop3A_230, %parallel_loop3A_231, %parallel_loop3A_232, %parallel_loop3A_233], %parallel_loop3A_226 {strides = array<i32>} : memref<10x2x2x8x128xf32, #tpu.memory_space<vmem>>, vector<16xf32>,
            %parallel_loop3A_235 = arith.constant 3 : i32
            %parallel_loop3A_236 = vector.broadcast %parallel_loop3A_235 : i32 to vector<16xi32>
            %parallel_loop3A_237 = arith.addi %parallel_loop3A_156, %parallel_loop3A_236 : vector<16xi32>
            %parallel_loop3A_238 = tpu.vector_load_idx %arg7[%parallel_loop3A_237] : memref<17408xf32, #tpu.memory_space<vmem>>[vector<16xi32>], vector<16xf32>,
            %parallel_loop3A_239 = arith.constant 0 : i32
            %parallel_loop3A_240 = arith.constant 3 : i32
            %parallel_loop3A_241 = arith.index_cast %parallel_loop3A_89 : i32 to index
            %parallel_loop3A_242 = arith.index_cast %parallel_loop3A_239 : i32 to index
            %parallel_loop3A_243 = arith.index_cast %parallel_loop3A_180 : i32 to index
            %parallel_loop3A_244 = arith.index_cast %parallel_loop3A_240 : i32 to index
            %parallel_loop3A_245 = arith.index_cast %parallel_loop3A_198 : i32 to index
            %parallel_loop3A_246 = tpu.vector_load %arg10[%parallel_loop3A_241, %parallel_loop3A_242, %parallel_loop3A_243, %parallel_loop3A_244, %parallel_loop3A_245] {strides = array<i32>} : memref<10x2x2x8x128xf32, #tpu.memory_space<vmem>>, vector<16xf32>,
            tpu.vector_store %arg10[%parallel_loop3A_241, %parallel_loop3A_242, %parallel_loop3A_243, %parallel_loop3A_244, %parallel_loop3A_245], %parallel_loop3A_238 {strides = array<i32>} : memref<10x2x2x8x128xf32, #tpu.memory_space<vmem>>, vector<16xf32>,
            %parallel_loop3A_247 = arith.constant 4 : i32
            %parallel_loop3A_248 = vector.broadcast %parallel_loop3A_247 : i32 to vector<16xi32>
            %parallel_loop3A_249 = arith.addi %parallel_loop3A_156, %parallel_loop3A_248 : vector<16xi32>
            %parallel_loop3A_250 = tpu.vector_load_idx %arg7[%parallel_loop3A_249] : memref<17408xf32, #tpu.memory_space<vmem>>[vector<16xi32>], vector<16xf32>,
            %parallel_loop3A_251 = arith.constant 0 : i32
            %parallel_loop3A_252 = arith.constant 4 : i32
            %parallel_loop3A_253 = arith.index_cast %parallel_loop3A_89 : i32 to index
            %parallel_loop3A_254 = arith.index_cast %parallel_loop3A_251 : i32 to index
            %parallel_loop3A_255 = arith.index_cast %parallel_loop3A_180 : i32 to index
            %parallel_loop3A_256 = arith.index_cast %parallel_loop3A_252 : i32 to index
            %parallel_loop3A_257 = arith.index_cast %parallel_loop3A_198 : i32 to index
            %parallel_loop3A_258 = tpu.vector_load %arg10[%parallel_loop3A_253, %parallel_loop3A_254, %parallel_loop3A_255, %parallel_loop3A_256, %parallel_loop3A_257] {strides = array<i32>} : memref<10x2x2x8x128xf32, #tpu.memory_space<vmem>>, vector<16xf32>,
            tpu.vector_store %arg10[%parallel_loop3A_253, %parallel_loop3A_254, %parallel_loop3A_255, %parallel_loop3A_256, %parallel_loop3A_257], %parallel_loop3A_250 {strides = array<i32>} : memref<10x2x2x8x128xf32, #tpu.memory_space<vmem>>, vector<16xf32>,
            %parallel_loop3A_259 = arith.constant 5 : i32
            %parallel_loop3A_260 = vector.broadcast %parallel_loop3A_259 : i32 to vector<16xi32>
            %parallel_loop3A_261 = arith.addi %parallel_loop3A_156, %parallel_loop3A_260 : vector<16xi32>
            %parallel_loop3A_262 = tpu.vector_load_idx %arg7[%parallel_loop3A_261] : memref<17408xf32, #tpu.memory_space<vmem>>[vector<16xi32>], vector<16xf32>,
            %parallel_loop3A_263 = arith.constant 0 : i32
            %parallel_loop3A_264 = arith.constant 5 : i32
            %parallel_loop3A_265 = arith.index_cast %parallel_loop3A_89 : i32 to index
            %parallel_loop3A_266 = arith.index_cast %parallel_loop3A_263 : i32 to index
            %parallel_loop3A_267 = arith.index_cast %parallel_loop3A_180 : i32 to index
            %parallel_loop3A_268 = arith.index_cast %parallel_loop3A_264 : i32 to index
            %parallel_loop3A_269 = arith.index_cast %parallel_loop3A_198 : i32 to index
            %parallel_loop3A_270 = tpu.vector_load %arg10[%parallel_loop3A_265, %parallel_loop3A_266, %parallel_loop3A_267, %parallel_loop3A_268, %parallel_loop3A_269] {strides = array<i32>} : memref<10x2x2x8x128xf32, #tpu.memory_space<vmem>>, vector<16xf32>,
            tpu.vector_store %arg10[%parallel_loop3A_265, %parallel_loop3A_266, %parallel_loop3A_267, %parallel_loop3A_268, %parallel_loop3A_269], %parallel_loop3A_262 {strides = array<i32>} : memref<10x2x2x8x128xf32, #tpu.memory_space<vmem>>, vector<16xf32>,
            %parallel_loop3A_271 = arith.constant 6 : i32
            %parallel_loop3A_272 = vector.broadcast %parallel_loop3A_271 : i32 to vector<16xi32>
            %parallel_loop3A_273 = arith.addi %parallel_loop3A_156, %parallel_loop3A_272 : vector<16xi32>
            %parallel_loop3A_274 = tpu.vector_load_idx %arg7[%parallel_loop3A_273] : memref<17408xf32, #tpu.memory_space<vmem>>[vector<16xi32>], vector<16xf32>,
            %parallel_loop3A_275 = arith.constant 0 : i32
            %parallel_loop3A_276 = arith.constant 6 : i32
            %parallel_loop3A_277 = arith.index_cast %parallel_loop3A_89 : i32 to index
            %parallel_loop3A_278 = arith.index_cast %parallel_loop3A_275 : i32 to index
            %parallel_loop3A_279 = arith.index_cast %parallel_loop3A_180 : i32 to index
            %parallel_loop3A_280 = arith.index_cast %parallel_loop3A_276 : i32 to index
            %parallel_loop3A_281 = arith.index_cast %parallel_loop3A_198 : i32 to index
            %parallel_loop3A_282 = tpu.vector_load %arg10[%parallel_loop3A_277, %parallel_loop3A_278, %parallel_loop3A_279, %parallel_loop3A_280, %parallel_loop3A_281] {strides = array<i32>} : memref<10x2x2x8x128xf32, #tpu.memory_space<vmem>>, vector<16xf32>,
            tpu.vector_store %arg10[%parallel_loop3A_277, %parallel_loop3A_278, %parallel_loop3A_279, %parallel_loop3A_280, %parallel_loop3A_281], %parallel_loop3A_274 {strides = array<i32>} : memref<10x2x2x8x128xf32, #tpu.memory_space<vmem>>, vector<16xf32>,
            %parallel_loop3A_283 = arith.constant 7 : i32
            %parallel_loop3A_284 = vector.broadcast %parallel_loop3A_283 : i32 to vector<16xi32>
            %parallel_loop3A_285 = arith.addi %parallel_loop3A_156, %parallel_loop3A_284 : vector<16xi32>
            %parallel_loop3A_286 = tpu.vector_load_idx %arg7[%parallel_loop3A_285] : memref<17408xf32, #tpu.memory_space<vmem>>[vector<16xi32>], vector<16xf32>,
            %parallel_loop3A_287 = arith.constant 0 : i32
            %parallel_loop3A_288 = arith.constant 7 : i32
            %parallel_loop3A_289 = arith.index_cast %parallel_loop3A_89 : i32 to index
            %parallel_loop3A_290 = arith.index_cast %parallel_loop3A_287 : i32 to index
            %parallel_loop3A_291 = arith.index_cast %parallel_loop3A_180 : i32 to index
            %parallel_loop3A_292 = arith.index_cast %parallel_loop3A_288 : i32 to index
            %parallel_loop3A_293 = arith.index_cast %parallel_loop3A_198 : i32 to index
            %parallel_loop3A_294 = tpu.vector_load %arg10[%parallel_loop3A_289, %parallel_loop3A_290, %parallel_loop3A_291, %parallel_loop3A_292, %parallel_loop3A_293] {strides = array<i32>} : memref<10x2x2x8x128xf32, #tpu.memory_space<vmem>>, vector<16xf32>,
            tpu.vector_store %arg10[%parallel_loop3A_289, %parallel_loop3A_290, %parallel_loop3A_291, %parallel_loop3A_292, %parallel_loop3A_293], %parallel_loop3A_286 {strides = array<i32>} : memref<10x2x2x8x128xf32, #tpu.memory_space<vmem>>, vector<16xf32>,
            %parallel_loop3A_295 = arith.constant 8 : i32
            %parallel_loop3A_296 = vector.broadcast %parallel_loop3A_295 : i32 to vector<16xi32>
            %parallel_loop3A_297 = arith.addi %parallel_loop3A_156, %parallel_loop3A_296 : vector<16xi32>
            %parallel_loop3A_298 = tpu.vector_load_idx %arg7[%parallel_loop3A_297] : memref<17408xf32, #tpu.memory_space<vmem>>[vector<16xi32>], vector<16xf32>,
            %parallel_loop3A_299 = arith.constant 1 : i32
            %parallel_loop3A_300 = arith.constant 0 : i32
            %parallel_loop3A_301 = arith.index_cast %parallel_loop3A_89 : i32 to index
            %parallel_loop3A_302 = arith.index_cast %parallel_loop3A_299 : i32 to index
            %parallel_loop3A_303 = arith.index_cast %parallel_loop3A_180 : i32 to index
            %parallel_loop3A_304 = arith.index_cast %parallel_loop3A_300 : i32 to index
            %parallel_loop3A_305 = arith.index_cast %parallel_loop3A_198 : i32 to index
            %parallel_loop3A_306 = tpu.vector_load %arg10[%parallel_loop3A_301, %parallel_loop3A_302, %parallel_loop3A_303, %parallel_loop3A_304, %parallel_loop3A_305] {strides = array<i32>} : memref<10x2x2x8x128xf32, #tpu.memory_space<vmem>>, vector<16xf32>,
            tpu.vector_store %arg10[%parallel_loop3A_301, %parallel_loop3A_302, %parallel_loop3A_303, %parallel_loop3A_304, %parallel_loop3A_305], %parallel_loop3A_298 {strides = array<i32>} : memref<10x2x2x8x128xf32, #tpu.memory_space<vmem>>, vector<16xf32>,
            %parallel_loop3A_307 = arith.constant 9 : i32
            %parallel_loop3A_308 = vector.broadcast %parallel_loop3A_307 : i32 to vector<16xi32>
            %parallel_loop3A_309 = arith.addi %parallel_loop3A_156, %parallel_loop3A_308 : vector<16xi32>
            %parallel_loop3A_310 = tpu.vector_load_idx %arg7[%parallel_loop3A_309] : memref<17408xf32, #tpu.memory_space<vmem>>[vector<16xi32>], vector<16xf32>,
            %parallel_loop3A_311 = arith.constant 1 : i32
            %parallel_loop3A_312 = arith.constant 1 : i32
            %parallel_loop3A_313 = arith.index_cast %parallel_loop3A_89 : i32 to index
            %parallel_loop3A_314 = arith.index_cast %parallel_loop3A_311 : i32 to index
            %parallel_loop3A_315 = arith.index_cast %parallel_loop3A_180 : i32 to index
            %parallel_loop3A_316 = arith.index_cast %parallel_loop3A_312 : i32 to index
            %parallel_loop3A_317 = arith.index_cast %parallel_loop3A_198 : i32 to index
            %parallel_loop3A_318 = tpu.vector_load %arg10[%parallel_loop3A_313, %parallel_loop3A_314, %parallel_loop3A_315, %parallel_loop3A_316, %parallel_loop3A_317] {strides = array<i32>} : memref<10x2x2x8x128xf32, #tpu.memory_space<vmem>>, vector<16xf32>,
            tpu.vector_store %arg10[%parallel_loop3A_313, %parallel_loop3A_314, %parallel_loop3A_315, %parallel_loop3A_316, %parallel_loop3A_317], %parallel_loop3A_310 {strides = array<i32>} : memref<10x2x2x8x128xf32, #tpu.memory_space<vmem>>, vector<16xf32>,
            %parallel_loop3A_319 = arith.constant 10 : i32
            %parallel_loop3A_320 = vector.broadcast %parallel_loop3A_319 : i32 to vector<16xi32>
            %parallel_loop3A_321 = arith.addi %parallel_loop3A_156, %parallel_loop3A_320 : vector<16xi32>
            %parallel_loop3A_322 = tpu.vector_load_idx %arg7[%parallel_loop3A_321] : memref<17408xf32, #tpu.memory_space<vmem>>[vector<16xi32>], vector<16xf32>,
            %parallel_loop3A_323 = arith.constant 1 : i32
            %parallel_loop3A_324 = arith.constant 2 : i32
            %parallel_loop3A_325 = arith.index_cast %parallel_loop3A_89 : i32 to index
            %parallel_loop3A_326 = arith.index_cast %parallel_loop3A_323 : i32 to index
            %parallel_loop3A_327 = arith.index_cast %parallel_loop3A_180 : i32 to index
            %parallel_loop3A_328 = arith.index_cast %parallel_loop3A_324 : i32 to index
            %parallel_loop3A_329 = arith.index_cast %parallel_loop3A_198 : i32 to index
            %parallel_loop3A_330 = tpu.vector_load %arg10[%parallel_loop3A_325, %parallel_loop3A_326, %parallel_loop3A_327, %parallel_loop3A_328, %parallel_loop3A_329] {strides = array<i32>} : memref<10x2x2x8x128xf32, #tpu.memory_space<vmem>>, vector<16xf32>,
            tpu.vector_store %arg10[%parallel_loop3A_325, %parallel_loop3A_326, %parallel_loop3A_327, %parallel_loop3A_328, %parallel_loop3A_329], %parallel_loop3A_322 {strides = array<i32>} : memref<10x2x2x8x128xf32, #tpu.memory_space<vmem>>, vector<16xf32>,
            %parallel_loop3A_331 = arith.constant 11 : i32
            %parallel_loop3A_332 = vector.broadcast %parallel_loop3A_331 : i32 to vector<16xi32>
            %parallel_loop3A_333 = arith.addi %parallel_loop3A_156, %parallel_loop3A_332 : vector<16xi32>
            %parallel_loop3A_334 = tpu.vector_load_idx %arg7[%parallel_loop3A_333] : memref<17408xf32, #tpu.memory_space<vmem>>[vector<16xi32>], vector<16xf32>,
            %parallel_loop3A_335 = arith.constant 1 : i32
            %parallel_loop3A_336 = arith.constant 3 : i32
            %parallel_loop3A_337 = arith.index_cast %parallel_loop3A_89 : i32 to index
            %parallel_loop3A_338 = arith.index_cast %parallel_loop3A_335 : i32 to index
            %parallel_loop3A_339 = arith.index_cast %parallel_loop3A_180 : i32 to index
            %parallel_loop3A_340 = arith.index_cast %parallel_loop3A_336 : i32 to index
            %parallel_loop3A_341 = arith.index_cast %parallel_loop3A_198 : i32 to index
            %parallel_loop3A_342 = tpu.vector_load %arg10[%parallel_loop3A_337, %parallel_loop3A_338, %parallel_loop3A_339, %parallel_loop3A_340, %parallel_loop3A_341] {strides = array<i32>} : memref<10x2x2x8x128xf32, #tpu.memory_space<vmem>>, vector<16xf32>,
            tpu.vector_store %arg10[%parallel_loop3A_337, %parallel_loop3A_338, %parallel_loop3A_339, %parallel_loop3A_340, %parallel_loop3A_341], %parallel_loop3A_334 {strides = array<i32>} : memref<10x2x2x8x128xf32, #tpu.memory_space<vmem>>, vector<16xf32>,
            %parallel_loop3A_343 = arith.constant 12 : i32
            %parallel_loop3A_344 = vector.broadcast %parallel_loop3A_343 : i32 to vector<16xi32>
            %parallel_loop3A_345 = arith.addi %parallel_loop3A_156, %parallel_loop3A_344 : vector<16xi32>
            %parallel_loop3A_346 = tpu.vector_load_idx %arg7[%parallel_loop3A_345] : memref<17408xf32, #tpu.memory_space<vmem>>[vector<16xi32>], vector<16xf32>,
            %parallel_loop3A_347 = arith.constant 1 : i32
            %parallel_loop3A_348 = arith.constant 4 : i32
            %parallel_loop3A_349 = arith.index_cast %parallel_loop3A_89 : i32 to index
            %parallel_loop3A_350 = arith.index_cast %parallel_loop3A_347 : i32 to index
            %parallel_loop3A_351 = arith.index_cast %parallel_loop3A_180 : i32 to index
            %parallel_loop3A_352 = arith.index_cast %parallel_loop3A_348 : i32 to index
            %parallel_loop3A_353 = arith.index_cast %parallel_loop3A_198 : i32 to index
            %parallel_loop3A_354 = tpu.vector_load %arg10[%parallel_loop3A_349, %parallel_loop3A_350, %parallel_loop3A_351, %parallel_loop3A_352, %parallel_loop3A_353] {strides = array<i32>} : memref<10x2x2x8x128xf32, #tpu.memory_space<vmem>>, vector<16xf32>,
            tpu.vector_store %arg10[%parallel_loop3A_349, %parallel_loop3A_350, %parallel_loop3A_351, %parallel_loop3A_352, %parallel_loop3A_353], %parallel_loop3A_346 {strides = array<i32>} : memref<10x2x2x8x128xf32, #tpu.memory_space<vmem>>, vector<16xf32>,
            %parallel_loop3A_355 = arith.constant 13 : i32
            %parallel_loop3A_356 = vector.broadcast %parallel_loop3A_355 : i32 to vector<16xi32>
            %parallel_loop3A_357 = arith.addi %parallel_loop3A_156, %parallel_loop3A_356 : vector<16xi32>
            %parallel_loop3A_358 = tpu.vector_load_idx %arg7[%parallel_loop3A_357] : memref<17408xf32, #tpu.memory_space<vmem>>[vector<16xi32>], vector<16xf32>,
            %parallel_loop3A_359 = arith.constant 1 : i32
            %parallel_loop3A_360 = arith.constant 5 : i32
            %parallel_loop3A_361 = arith.index_cast %parallel_loop3A_89 : i32 to index
            %parallel_loop3A_362 = arith.index_cast %parallel_loop3A_359 : i32 to index
            %parallel_loop3A_363 = arith.index_cast %parallel_loop3A_180 : i32 to index
            %parallel_loop3A_364 = arith.index_cast %parallel_loop3A_360 : i32 to index
            %parallel_loop3A_365 = arith.index_cast %parallel_loop3A_198 : i32 to index
            %parallel_loop3A_366 = tpu.vector_load %arg10[%parallel_loop3A_361, %parallel_loop3A_362, %parallel_loop3A_363, %parallel_loop3A_364, %parallel_loop3A_365] {strides = array<i32>} : memref<10x2x2x8x128xf32, #tpu.memory_space<vmem>>, vector<16xf32>,
            tpu.vector_store %arg10[%parallel_loop3A_361, %parallel_loop3A_362, %parallel_loop3A_363, %parallel_loop3A_364, %parallel_loop3A_365], %parallel_loop3A_358 {strides = array<i32>} : memref<10x2x2x8x128xf32, #tpu.memory_space<vmem>>, vector<16xf32>,
            %parallel_loop3A_367 = arith.constant 14 : i32
            %parallel_loop3A_368 = vector.broadcast %parallel_loop3A_367 : i32 to vector<16xi32>
            %parallel_loop3A_369 = arith.addi %parallel_loop3A_156, %parallel_loop3A_368 : vector<16xi32>
            %parallel_loop3A_370 = tpu.vector_load_idx %arg7[%parallel_loop3A_369] : memref<17408xf32, #tpu.memory_space<vmem>>[vector<16xi32>], vector<16xf32>,
            %parallel_loop3A_371 = arith.constant 1 : i32
            %parallel_loop3A_372 = arith.constant 6 : i32
            %parallel_loop3A_373 = arith.index_cast %parallel_loop3A_89 : i32 to index
            %parallel_loop3A_374 = arith.index_cast %parallel_loop3A_371 : i32 to index
            %parallel_loop3A_375 = arith.index_cast %parallel_loop3A_180 : i32 to index
            %parallel_loop3A_376 = arith.index_cast %parallel_loop3A_372 : i32 to index
            %parallel_loop3A_377 = arith.index_cast %parallel_loop3A_198 : i32 to index
            %parallel_loop3A_378 = tpu.vector_load %arg10[%parallel_loop3A_373, %parallel_loop3A_374, %parallel_loop3A_375, %parallel_loop3A_376, %parallel_loop3A_377] {strides = array<i32>} : memref<10x2x2x8x128xf32, #tpu.memory_space<vmem>>, vector<16xf32>,
            tpu.vector_store %arg10[%parallel_loop3A_373, %parallel_loop3A_374, %parallel_loop3A_375, %parallel_loop3A_376, %parallel_loop3A_377], %parallel_loop3A_370 {strides = array<i32>} : memref<10x2x2x8x128xf32, #tpu.memory_space<vmem>>, vector<16xf32>,
            %parallel_loop3A_379 = arith.constant 15 : i32
            %parallel_loop3A_380 = vector.broadcast %parallel_loop3A_379 : i32 to vector<16xi32>
            %parallel_loop3A_381 = arith.addi %parallel_loop3A_156, %parallel_loop3A_380 : vector<16xi32>
            %parallel_loop3A_382 = tpu.vector_load_idx %arg7[%parallel_loop3A_381] : memref<17408xf32, #tpu.memory_space<vmem>>[vector<16xi32>], vector<16xf32>,
            %parallel_loop3A_383 = arith.constant 1 : i32
            %parallel_loop3A_384 = arith.constant 7 : i32
            %parallel_loop3A_385 = arith.index_cast %parallel_loop3A_89 : i32 to index
            %parallel_loop3A_386 = arith.index_cast %parallel_loop3A_383 : i32 to index
            %parallel_loop3A_387 = arith.index_cast %parallel_loop3A_180 : i32 to index
            %parallel_loop3A_388 = arith.index_cast %parallel_loop3A_384 : i32 to index
            %parallel_loop3A_389 = arith.index_cast %parallel_loop3A_198 : i32 to index
            %parallel_loop3A_390 = tpu.vector_load %arg10[%parallel_loop3A_385, %parallel_loop3A_386, %parallel_loop3A_387, %parallel_loop3A_388, %parallel_loop3A_389] {strides = array<i32>} : memref<10x2x2x8x128xf32, #tpu.memory_space<vmem>>, vector<16xf32>,
            tpu.vector_store %arg10[%parallel_loop3A_385, %parallel_loop3A_386, %parallel_loop3A_387, %parallel_loop3A_388, %parallel_loop3A_389], %parallel_loop3A_382 {strides = array<i32>} : memref<10x2x2x8x128xf32, #tpu.memory_space<vmem>>, vector<16xf32>,
          } {sc.loop_unroll_factor = 4 : i64, sc.parallel_access}
        } {sc.loop_unroll_factor = 1 : i64, sc.parallel_access}
        %add3A_79 = arith.constant 10 : i32
        %add3A_80 = arith.addi %mul3A_57, %add3A_79 : i32
        %dma_start3A_81 = arith.constant 0 : i32
        %dma_start3A_82 = arith.constant 0 : i32
        %dma_start3A_83 = arith.constant 0 : i32
        %dma_start3A_84 = tpu.memref_slice %arg5[%add3A_80, %dma_start3A_81, %select_n3A, %dma_start3A_82, %dma_start3A_83] : memref<100x2x128x8x128xf32, #tpu.memory_space<hbm>> -> memref<10x2x2x8x128xf32, #tpu.memory_space<hbm>>
        %dma_start3A_85 = arith.constant 0 : i32
        %dma_start3A_86 = arith.constant 0 : i32
        %dma_start3A_87 = arith.constant 0 : i32
        %dma_start3A_88 = tpu.memref_slice %arg5[%add3A_80, %dma_start3A_85, %select_n3A, %dma_start3A_86, %dma_start3A_87] : memref<100x2x128x8x128xf32, #tpu.memory_space<hbm>> -> memref<10x2x2x8x128xf32, #tpu.memory_space<hbm>>
        tpu.enqueue_dma source(%arg10 : memref<10x2x2x8x128xf32, #tpu.memory_space<vmem>>) target(%dma_start3A_88 : memref<10x2x2x8x128xf32, #tpu.memory_space<hbm>>) target_semaphore(%arg12 : memref<!tpu.dma_semaphore, #tpu.memory_space<semaphore_mem>>)
      }
      %scan3A_33 = arith.constant 5 : i32
      %dma_wait3A = arith.constant 0 : i32
      %dma_wait3A_34 = arith.constant 0 : i32
      %dma_wait3A_35 = arith.constant 0 : i32
      %dma_wait3A_36 = arith.constant 0 : i32
      %dma_wait3A_37 = tpu.memref_slice %arg5[%dma_wait3A, %dma_wait3A_34, %select_n3A, %dma_wait3A_35, %dma_wait3A_36] : memref<100x2x128x8x128xf32, #tpu.memory_space<hbm>> -> memref<10x2x2x8x128xf32, #tpu.memory_space<hbm>>
      %dma_wait3A_38 = arith.constant 0 : i32
      %dma_wait3A_39 = arith.constant 0 : i32
      %dma_wait3A_40 = arith.constant 0 : i32
      %dma_wait3A_41 = arith.constant 0 : i32
      %dma_wait3A_42 = tpu.memref_slice %arg5[%dma_wait3A_38, %dma_wait3A_39, %select_n3A, %dma_wait3A_40, %dma_wait3A_41] : memref<100x2x128x8x128xf32, #tpu.memory_space<hbm>> -> memref<10x2x2x8x128xf32, #tpu.memory_space<hbm>>
      tpu.wait_dma2 semaphore(%arg11 : memref<!tpu.dma_semaphore, #tpu.memory_space<semaphore_mem>>) src(%arg9 : memref<10x2x2x8x128xf32, #tpu.memory_space<vmem>>) dst(%dma_wait3A_42 : memref<10x2x2x8x128xf32, #tpu.memory_space<hbm>>)
      %dma_wait3A_43 = arith.constant 0 : i32
      %dma_wait3A_44 = arith.constant 0 : i32
      %dma_wait3A_45 = arith.constant 0 : i32
      %dma_wait3A_46 = arith.constant 0 : i32
      %dma_wait3A_47 = tpu.memref_slice %arg5[%dma_wait3A_43, %dma_wait3A_44, %select_n3A, %dma_wait3A_45, %dma_wait3A_46] : memref<100x2x128x8x128xf32, #tpu.memory_space<hbm>> -> memref<10x2x2x8x128xf32, #tpu.memory_space<hbm>>
      %dma_wait3A_48 = arith.constant 0 : i32
      %dma_wait3A_49 = arith.constant 0 : i32
      %dma_wait3A_50 = arith.constant 0 : i32
      %dma_wait3A_51 = arith.constant 0 : i32
      %dma_wait3A_52 = tpu.memref_slice %arg5[%dma_wait3A_48, %dma_wait3A_49, %select_n3A, %dma_wait3A_50, %dma_wait3A_51] : memref<100x2x128x8x128xf32, #tpu.memory_space<hbm>> -> memref<10x2x2x8x128xf32, #tpu.memory_space<hbm>>
      tpu.wait_dma2 semaphore(%arg12 : memref<!tpu.dma_semaphore, #tpu.memory_space<semaphore_mem>>) src(%arg10 : memref<10x2x2x8x128xf32, #tpu.memory_space<vmem>>) dst(%dma_wait3A_52 : memref<10x2x2x8x128xf32, #tpu.memory_space<hbm>>)
    }
    %scan3A_5 = arith.constant 2 : i32
    return
  }
}

</mosaic_0001>

<sc_bundles>
// kernel: kernel.3.cloned.1.call-start
scs
__scs_entry_jumppad:
0x0: {  	(pc) =	sbr.rel $0x88, $3  }
0x1: {  	(tag) =	ssettag $0x0;
	lr =	simm.s32 $0x1  }
0x2: {  	[smem:$0x3F9E] =	sst lr;
	_ =	strace $0xD0000000  }
0x3: {  	_ = 	snop  }
0x4: {  	_ = 	snop  }
0x5: {  	_ = 	snop  }
0x6: {  	_ = 	snop  }
0x7: {  	_ = 	snop  }
__scs_overlays_trampoline_lowered:
0x8: {  	[smem:$0x3FAD] =	sst s0  }
0x9: {  	[smem:$0x3FAE] =	sst s1  }
0xa: {  	[smem:$0x3FAF] =	sst s2  }
0xb: {  	[smem:$0x3FB0] =	sst s3  }
0xc: {  	[smem:$0x3FB1] =	sst s4  }
0xd: {  	[smem:$0x3FB2] =	sst s5  }
0xe: {  	[smem:$0x3FB3] =	sst s6  }
0xf: {  	[smem:$0x3FB4] =	sst s7  }
0x10: {  	[smem:$0x3FB5] =	sst s8  }
0x11: {  	[smem:$0x3FB6] =	sst s9;
	s0 =	simm.s32 @!p0 $0x0  }
0x12: {  	s1 =	sld [smem:$0x3F9C];
	s0 =	simm.s32 @p0 $0x1  }
0x13: {  	[smem:$0x3FB7] =	sst s0;
	s0 =	simm.s32 @!p1 $0x0  }
0x14: {  	s2 =	sld [smem:$0x3F9B];
	s0 =	simm.s32 @p1 $0x1  }
0x15: {  	[smem:$0x3FB8] =	sst s0;
	s0 =	simm.s32 @!p2 $0x0  }
0x16: {  	s3 =	sld [smem:$0x3FDB];
	s0 =	simm.s32 @p2 $0x1  }
0x17: {  	s4 =	simm.s32 $0x1BF5;
	[smem:$0x3FBA] =	sst s0  }
0x18: {  	s0 =	sld [smem:$0x3F9D];
	_ =	swait.ge [sflag:s4], $0x0  }
0x19: {  	s7 =	sld [smem:$0x3F9E]  }
0x1a: {  	s8 =	sadd.s32 $0xFFFFE003, lr  }
0x1b: {  	s9 =	sadd.s32 $0xFFFFFEF7, lr;
	s5 =	simm.s32 $0xFFFFFFFF;
	p2 =	slt.u32 s8, $0xFFFFF086  }
0x1c: {  	p1 =	slt.u32 s9, $0xF7A;
	s5 =	simm.s32 @!p2 $0x0  }
0x1d: {  	s5 =	simm.s32 @p1 $0x1;
	p0 =	seq.s32 s7, s2  }
0x1e: {  	s7 =	smul.u32 @!p0 $0xF7A, s2;
	p2 =	seq.s32 @!p0 s5, $0x0  }
0x1f: {  	s9 =	smul.u32 $0xF7A, s1;
	s8 =	simm.s32 @!p0 $0x1BF5;
	p2 =	por !p2, p0  }
0x20: {  	[sflag:s8] =	ssyncset.s32 @!p0 $0xFFFFF086;
	s6 =	sadd.s32 @!p0 s3, s7;
	s7 =	simm.s32 @!p0 $0x108  }
0x21: {  	s3 =	sadd.s32 s3, s9;
	s6 =	sadd.s32 @!p0 $0x88, s6;
	s7 =	simm.s32 @p2 $0x1082  }
0x22: {  	[simem:s7], [sflag:s8] =	dma.local @!p0 [hbm:s6], $0xF7A  }
0x23: {  	s9 =	sor.u32 $0xD0000000, s2;
	s6 =	simm.s32 $0x108;
	_ =	swait.ge @!p0 [sflag:s8], $0x0  }
0x24: {  	s3 =	sadd.s32 $0x88, s3;
	s6 =	simm.s32 @!p1 $0x1082;
	[sflag:s4] =	ssyncset.s32 $0xFFFFF086  }
0x25: {  	[simem:s6], [sflag:s4] =	dma.local [hbm:s3], $0xF7A  }
0x26: {  	[smem:$0x3F9E] =	sst s1;
	(tag) =	ssettag s2;
	_ =	strace s9  }
0x27: {  	s1 =	sld [smem:$0x3FAE]  }
0x28: {  	s2 =	sld [smem:$0x3FAF]  }
0x29: {  	s4 =	sld [smem:$0x3FB1]  }
0x2a: {  	p0 =	seq.s32 s5, $0x0;
	s5 =	sld [smem:$0x3FB2]  }
0x2b: {  	s6 =	sld [smem:$0x3FB3]  }
0x2c: {  	s7 =	sld [smem:$0x3FB4]  }
0x2d: {  	s3 =	simm.s32 $0x108;
	s8 =	sld [smem:$0x3FB5]  }
0x2e: {  	s3 =	simm.s32 @!p0 $0x1082;
	s9 =	sld [smem:$0x3FB6]  }
0x2f: {  	lr =	sadd.s32 s0, s3;
	s0 =	sld [smem:$0x3FAD]  }
0x30: {  	s3 =	sld [smem:$0x3FB0]  }
0x31: {  	[smem:$0x3FB9] =	sst s10  }
0x32: {  	s10 =	sld [smem:$0x3FB7];
	_ =	sdelay $0x3  }
0x33: {  	p0 =	seq.s32 s10, $0x1;
	s10 =	sld [smem:$0x3FB9];
	_ =	sdelay $0x3  }
0x34: {  	[smem:$0x3FB9] =	sst s10  }
0x35: {  	s10 =	sld [smem:$0x3FB8];
	_ =	sdelay $0x3  }
0x36: {  	p1 =	seq.s32 s10, $0x1;
	s10 =	sld [smem:$0x3FB9];
	_ =	sdelay $0x3  }
0x37: {  	[smem:$0x3FB9] =	sst s10  }
0x38: {  	s10 =	sld [smem:$0x3FBA]  }
0x39: {  	_ = 	snop;
	(pc) =	sbr.ind lr, $3  }
0x3a: {  	_ = 	snop  }
0x3b: {  	_ = 	snop  }
0x3c: {  	p2 =	seq.s32 s10, $0x1;
	s10 =	sld [smem:$0x3FB9]  }
0x3d: {  	_ =	shalt  }
0x3e: {  	_ =	shalt  }
0x3f: {  	_ =	shalt  }
0x40: {  	_ =	shalt  }
0x41: {  	_ =	shalt  }
0x42: {  	_ =	shalt  }
0x43: {  	_ =	shalt  }
0x44: {  	_ =	shalt  }
0x45: {  	_ =	shalt  }
0x46: {  	_ =	shalt  }
0x47: {  	_ =	shalt  }
0x48: {  	_ =	shalt  }
0x49: {  	_ =	shalt  }
0x4a: {  	_ =	shalt  }
0x4b: {  	_ =	shalt  }
0x4c: {  	_ =	shalt  }
0x4d: {  	_ =	shalt  }
0x4e: {  	_ =	shalt  }
0x4f: {  	_ =	shalt  }
0x50: {  	_ =	shalt  }
0x51: {  	_ =	shalt  }
0x52: {  	_ =	shalt  }
0x53: {  	_ =	shalt  }
0x54: {  	_ =	shalt  }
0x55: {  	_ =	shalt  }
0x56: {  	_ =	shalt  }
0x57: {  	_ =	shalt  }
0x58: {  	_ =	shalt  }
0x59: {  	_ =	shalt  }
0x5a: {  	_ =	shalt  }
0x5b: {  	_ =	shalt  }
0x5c: {  	_ =	shalt  }
0x5d: {  	_ =	shalt  }
0x5e: {  	_ =	shalt  }
0x5f: {  	_ =	shalt  }
0x60: {  	_ =	shalt  }
0x61: {  	_ =	shalt  }
0x62: {  	_ =	shalt  }
0x63: {  	_ =	shalt  }
0x64: {  	_ =	shalt  }
0x65: {  	_ =	shalt  }
0x66: {  	_ =	shalt  }
0x67: {  	_ =	shalt  }
0x68: {  	_ =	shalt  }
0x69: {  	_ =	shalt  }
0x6a: {  	_ =	shalt  }
0x6b: {  	_ =	shalt  }
0x6c: {  	_ =	shalt  }
0x6d: {  	_ =	shalt  }
0x6e: {  	_ =	shalt  }
0x6f: {  	_ =	shalt  }
0x70: {  	_ =	shalt  }
0x71: {  	_ =	shalt  }
0x72: {  	_ =	shalt  }
0x73: {  	_ =	shalt  }
0x74: {  	_ =	shalt  }
0x75: {  	_ =	shalt  }
0x76: {  	_ =	shalt  }
0x77: {  	_ =	shalt  }
0x78: {  	_ =	shalt  }
0x79: {  	_ =	shalt  }
0x7a: {  	_ =	shalt  }
0x7b: {  	_ =	shalt  }
0x7c: {  	_ =	shalt  }
0x7d: {  	_ =	shalt  }
0x7e: {  	_ =	shalt  }
0x7f: {  	_ =	shalt  }
0x80: {  	_ =	shalt  }
0x81: {  	_ =	shalt  }
0x82: {  	_ =	shalt  }
0x83: {  	_ =	shalt  }
0x84: {  	_ =	shalt  }
0x85: {  	_ =	shalt  }
0x86: {  	_ =	shalt  }
0x87: {  	_ =	shalt  }
.Lfunc_end0:
.L_simem_size_0:
called_computation_lowered:
.L_overlay_start_0:
0x88: {  	s2 =	sld [smem:$0x3FD9]  }
0x89: {  	s3 =	sld [smem:$0x3FFE];
	_ =	sdelay $0x1  }
0x8a: {  	s1 =	srdreg.scid  }
0x8b: {  	s0 =	sand.u32 $0x1, s1  }
0x8c: {  	s17 =	sshll.u32 s0, $0xA;
	s2 =	sadd.s32 s3, s2  }
0x8d: {  	s2 =	sadd.s32 s2, s17  }
0x8e: {  	[smem:$0x3FC5] =	sst s2  }
0x8f: {  	_ = 	snop  }
0x90: {  	s2 =	sld [smem:$0x3FC8]  }
0x91: {  	s18 =	sld [smem:$0x3FD0];
	(tm) =	ssettm $0x1  }
0x92: {  	s4 =	sld [smem:$0x3FFB];
	_ =	sdelay $0x3  }
0x93: {  	_ =	strace s4  }
0x94: {  	s4 =	sld [smem:$0x3FFC];
	_ =	sdelay $0x3  }
0x95: {  	_ =	strace s4  }
0x96: {  	s4 =	sld [smem:$0x3FFD];
	_ =	sdelay $0x3  }
0x97: {  	_ =	strace s4  }
0x98: {  	_ =	strace $0x8FFFFFFF  }
0x99: {  	s19 =	sld [smem:$0x3FDB];
	_ =	sdelay $0x1  }
0x9a: {  	s5 =	simm.s32 $_scs_section_size  }
0x9b: {  	s6 =	simm.s32 $_size__tile_overlayer_lowered;
	s7 =	simm.s32 $_tile_overlayer_lowered  }
0x9c: {  	s22 =	simm.s32 $0x1BFF;
	s21 =	sshll.u32 s7, $0x1;
	s4 =	sadd.s32 s5, s19  }
0x9d: {  	s8 =	simm.s32 $0x0;
	s20 =	sshll.u32 s6, $0x1;
	s6 =	sadd.s32 s21, s4  }
0x9e: {  	[timem:s8], [sflag:s22] =	dma.local [hbm:s6], s20  }
0x9f: {  	_ =	swait.ge [sflag:s22], s20  }
0xa0: {  	s5 =	ssub.s32 $0x0, s20;
	[sflag:s22] =	ssyncset.done $0x0  }
0xa1: {  	[sflag:s22] =	ssyncadd.s32 s5;
	_ =	sdelay $0x1  }
0xa2: {  	s23 =	simm.s32 $0x1B8B  }
0xa3: {  	_ =	swait.ge [sflag:s23], $0x1  }
0xa4: {  	[sflag:s23] =	ssyncset.done $0x0  }
0xa5: {  	s25 =	simm.s32 $0x1B8E;
	s24 =	sld [smem:$0x3FFE];
	[sflag:s23] =	ssyncadd.s32 $0xFFFFFFFF  }
0xa6: {  	s26 =	simm.s32 $execute0_lowered;
	[smem:$0x3FD2] =	sst s25  }
0xa7: {  	s6 =	sshll.u32 s26, $0x1;
	_ =	strace $0x80000046;
	[dreg:$0x1] =	wrdreg $0xFFFFFFFF  }
0xa8: {  	s28 =	simm.s32 $_size_execute0_lowered;
	s4 =	sadd.s32 s4, s6;
	[dreg:$0x0] =	wrdreg $0x0  }
0xa9: {  	s6 =	sshll.u32 s28, $0x1;
	[dreg:$0x2] =	wrdreg s4  }
0xaa: {  	[dreg:$0x3] =	wrdreg s6  }
0xab: {  	[dreg:$0x4] =	wrdreg $0xC0  }
0xac: {  	_ =	task [dreg:s8], $0x5FFFF  }
0xad: {  	[dreg:$0x1] =	wrdreg $0xFFFFFFFF  }
0xae: {  	[dreg:$0x0] =	wrdreg $0x60  }
0xaf: {  	[dreg:$0x2] =	wrdreg s24  }
0xb0: {  	[dreg:$0x3] =	wrdreg s2  }
0xb1: {  	[dreg:$0x4] =	wrdreg s18  }
0xb2: {  	[dreg:$0x5] =	wrdreg $0x9  }
0xb3: {  	_ =	task.clear_ibuf [dreg:s8], $0x6FFFF;
	_ =	strace $0x90000046  }
0xb4: {  	s29 =	simm.s32 $0x9;
	_ =	strace $0x80000048  }
0xb5: {  	_ =	swait.ge [sflag:s29], $0x1  }
0xb6: {  	[sflag:s29] =	ssyncadd.s32 $0xFFFFFFFF  }
0xb7: {  	_ =	strace $0x90000048  }
0xb8: {  	_ =	sfence  }
0xb9: {  	s30 =	sld [smem:$0x0];
	_ =	sdelay $0x2  }
0xba: {  	s31 =	sshll.u32 s1, $0xD;
	s1 =	sshrl.u32 s1, $0x2  }
0xbb: {  	s3 =	sand.u32 $0x4000, s31;
	s1 =	sadd.s32 s1, s30  }
0xbc: {  	s0 =	sor.u32 s3, s0;
	s1 =	sshll.u32 s1, $0x11  }
0xbd: {  	s0 =	sor.u32 s1, s0  }
0xbe: {  	s0 =	sadd.s32 $0x8F2B, s0  }
0xbf: {  	[sflag:s0] =	ssyncadd.remote.s32 $0x1  }
0xc0: {  	_ =	sfence.sel $0xFFFF  }
0xc1: {  	[dreg:$0x0] =	wrdreg $0xFFFFFFFF;
	(pc) =	sbr.abs _section_cstart, $3  }
0xc2: {  	[dreg:$0x1] =	wrdreg $0xFFFFFFFF  }
0xc3: {  	_ =	task.clear_ibuf [dreg:s8], $0x2FFFF;
	_ =	strace $0x9FFFFFFF  }
0xc4: {  	(tm) =	ssettm $0x7FFFFFFF  }
0xc5: {  	_ =	shalt  }
tec
execute0_lowered:
.L_overlay_start_1:
0x0: {  	(tag) =	ssettag $0x1  }
0x1: {  	s0 =	rddreg [dreg:$0x0];
	s3 =	simm.s32 $0x0;
	s1 =	srdreg.scid  }
0x2: {  	s5 =	stileid.u32;
	[smem:$0x7FF] =	sst s3  }
0x3: {  	s1 =	sand.u32 $0x1, s1;
	s4 =	sadd.s32 $0xE00, s0;
	s29 =	sshll.u32 s5, $0xA  }
0x4: {  	s0 =	sadd.s32 $0x400, s0;
	_ =	strace $0x80000047;
	s2 =	ssub.s32 $0x2, s1  }
0x5: {  	[dreg:$0x4] =	wrdreg s4;
	s1 =	sshll.u32 s1, $0x9;
	s28 =	sshrl.u32 s2, $0x1  }
0x6: {  	[dreg:$0x5] =	wrdreg s0;
	s30 =	sor.u32 s1, s29;
	s2 =	ssub.s32 s2, s28  }
0x7: {  	s10 =	simm.s32 $0x400;
	[dreg:$0x6] =	wrdreg s30;
	s31 =	smax.u32 s2, $0x1  }
0x8: {  	s15 =	simm.s32 $0x800;
	v60 =	vimm.s32 $0x0;
	s1 =	simm.s32 $0x0;
	[dreg:$0x7] =	wrdreg s31  }
.LBB2_1:
0x9: {  	[dreg:$0x8] =	wrdreg s1  }
0xa: {  	s0 =	rddreg [dreg:$0x1];
	s30 =	simm.s32 $0x3  }
0xb: {  	[tilespmem:s3], [sflag:$0x3] =	stream.linear.gather [hbm4b:s0+s3], $0x400, $0x38;
	[tilespmem:$0x1EC00] =	vst v63  }
0xc: {  	_ =	swait.ge [sflag:s30], $0x400  }
0xd: {  	[sflag:s30] =	ssyncset.done $0x0  }
0xe: {  	s31 =	rddreg [dreg:$0x5];
	[sflag:s30] =	ssyncadd.s32 $0xFFFFFC00  }
0xf: {  	[tilespmem:s10], [sflag:$0x3] =	stream.linear.gather [hbm4b:s31+s3], $0x4400, $0x38;
	[tilespmem:$0x1EC00] =	vst v63  }
0x10: {  	_ =	swait.ge [sflag:s30], $0x4400  }
0x11: {  	[sflag:s30] =	ssyncset.done $0x0  }
0x12: {  	p1 =	por $0x1, $0x1;
	s0 =	simm.s32 $0x0;
	[sflag:s30] =	ssyncadd.s32 $0xFFFFBC00  }
.LBB2_2:
0x13: {  	s1 =	rddreg [dreg:$0x6]  }
0x14: {  	s2 =	rddreg [dreg:$0x4];
	s0 =	sor.u32 s1, s0  }
0x15: {  	s30 =	simm.s32 $0x100;
	s4 =	simm.s32 $0x4000;
	s1 =	sshrl.u32 s0, $0x3  }
0x16: {  	s5 =	simm.s32 $0x4800;
	s31 =	simm.s32 $0x3;
	s1 =	sadd.s32 s2, s1  }
0x17: {  	[tilespmem:s5], [sflag:$0x3] =	stream.strided.gather [hbm4b:s1+s30], $0x6400, s4, s30, $0x38;
	[tilespmem:$0x1EC00] =	vst v63  }
0x18: {  	_ =	swait.ge [sflag:s31], $0x6400  }
0x19: {  	[sflag:s31] =	ssyncset.done $0x0  }
0x1a: {  	[sflag:s31] =	ssyncadd.s32 $0xFFFF9C00  }
0x1b: {  	p0 =	por p1, p1;
	s22 =	simm.s32 $0x0;
	s1 =	rddreg [dreg:$0x2]  }
0x1c: {  	s23 =	simm.s32 $0x4820;
	s24 =	simm.s32 $0x5230;
	s21 =	sadd.s32 s1, s0  }
.LBB2_3:
0x1d: {  	p1 =	seq.s32 s22, $0x0  }
0x1e: {  	s0 =	simm.s32 @!p1 $0x1  }
0x1f: {  	_ =	swait.ge @!p1 [sflag:s0], $0xA000  }
0x20: {  	s25 =	smul.u32 $0x14, s22;
	[sflag:s0] =	ssyncset.done @!p1 $0x0  }
0x21: {  	s26 =	smov.u32 s23;
	s28 =	simm.s32 $0x0;
	[sflag:s0] =	ssyncadd.s32 @!p1 $0xFFFF6000  }
.LBB2_4:
0x22: {  	v1 =	vld [tilespmem:s26+$0x10];
	_ =	sdelay $0x3  }
0x23: {  	v4 =	vld [tilespmem:s26+$0x0]  }
0x24: {  	v3 =	vadd.f32 $3.000000000e+00, v1  }
0x25: {  	v2 =	vld [tilespmem:s26+$0xFFFFFFF0]  }
0x26: {  	v5 =	vld [tilespmem:s26+$0xFFFFFFE0];
	v3 =	vmul.f32 $1.703333280e+02, v3;
	_ =	sdelay $0x1  }
0x27: {  	v7 =	vadd.f32 $3.000000000e+00, v4;
	v3 =	vmax.f32 v3, $0.0e+00  }
0x28: {  	v3 =	vmin.f32 v3, $1.023000000e+03  }
0x29: {  	v6 =	vadd.f32 $3.000000000e+00, v2;
	v7 =	vmul.f32 $1.703333280e+02, v7;
	v8 =	vtrunc.f32 v3  }
0x2a: {  	v9 =	vadd.f32 $3.000000000e+00, v5;
	v10 =	vcvt.f32.s32 v8;
	vm0 =	vgt.f32 v3, v8  }
0x2b: {  	v7 =	vmax.f32 v7, $0.0e+00;
	v3 =	vmul.f32 $1.703333280e+02, v6;
	v6 =	vsel vm0, $0x1, v60  }
0x2c: {  	v7 =	vmin.f32 v7, $1.023000000e+03;
	v6 =	vadd.s32 v10, v6  }
0x2d: {  	v8 =	vmul.f32 $1.703333280e+02, v9;
	vm12 =	vlt.s32 v6, $0x3FE;
	v9 =	vadd.s32 $0xFFFFFFFF, v6  }
0x2e: {  	v13 =	vtrunc.f32 v7;
	v10 =	vnsel vm12, $0x3FE, v6;
	vm13 =	vgt.s32 v9, $0x0  }
0x2f: {  	v3 =	vmax.f32 v3, $0.0e+00;
	v8 =	vmax.f32 v8, $0.0e+00;
	v9 =	vnsel vm13, $0x0, v9  }
0x30: {  	vm15 =	vgt.f32 v7, v13;
	v8 =	vmin.f32 v8, $1.023000000e+03;
	v3 =	vmin.f32 v3, $1.023000000e+03  }
0x31: {  	vm7 =	vlt.s32 v6, $0x3FF;
	vm8 =	vgt.s32 v6, $0x0;
	v11 =	vtrunc.f32 v8  }
0x32: {  	v12 =	vtrunc.f32 v3;
	v14 =	vcvt.f32.s32 v11;
	vm14 =	vgt.f32 v8, v11  }
0x33: {  	v8 =	vcvt.f32.s32 v12;
	vm1 =	vgt.f32 v3, v12;
	v11 =	vsel vm14, $0x1, v60;
	v10 =	vld.idx.msk [tilespmem:v10+s3+$0x0], $0xffff  }
0x34: {  	v3 =	vcvt.f32.s32 v13;
	v12 =	vsel vm1, $0x1, v60;
	v7 =	vadd.s32 v14, v11;
	v9 =	vld.idx.msk [tilespmem:v9+s3+$0x0], $0xffff  }
0x35: {  	v11 =	vsel vm15, $0x1, v60;
	v8 =	vadd.s32 v8, v12;
	vm4 =	vlt.s32 v7, $0x3FE  }
0x36: {  	v3 =	vadd.s32 v3, v11;
	v11 =	vadd.s32 $0xFFFFFFFF, v7;
	vm5 =	vlt.s32 v8, $0x3FE  }
0x37: {  	v12 =	vadd.s32 $0xFFFFFFFF, v8;
	v13 =	vnsel vm4, $0x3FE, v7;
	vm6 =	vgt.s32 v11, $0x0  }
0x38: {  	v14 =	vnsel vm5, $0x3FE, v8;
	vm10 =	vlt.s32 v3, $0x3FE;
	vm2 =	vlt.f32 v10, v1  }
0x39: {  	vm11 =	vgt.s32 v12, $0x0;
	vm1 =	vmand vm2, vm7;
	vm3 =	vge.f32 v9, v1  }
0x3a: {  	v1 =	vnsel vm6, $0x0, v11;
	v9 =	vsel vm1, $0x1, v60;
	vm9 =	vmand vm3, vm8  }
0x3b: {  	v11 =	vnsel vm11, $0x0, v12;
	v10 =	vsel vm9, $0xFFFFFFFF, v60;
	v6 =	vadd.s32 v9, v6  }
0x3c: {  	v9 =	vnsel vm10, $0x3FE, v3;
	v6 =	vadd.s32 v10, v6  }
0x3d: {  	v12 =	vld.idx.msk [tilespmem:v13+s3+$0x0], $0xffff;
	v10 =	vadd.s32 $0xFFFFFFFF, v3;
	v13 =	vmul.u32 $0x11, v6  }
0x3e: {  	vm12 =	vgt.s32 v10, $0x0;
	v6 =	vld.idx.msk [tilespmem:v14+s3+$0x0], $0xffff  }
0x3f: {  	v10 =	vnsel vm12, $0x0, v10;
	v1 =	vld.idx.msk [tilespmem:v1+s3+$0x0], $0xffff  }
0x40: {  	v11 =	vld.idx.msk [tilespmem:v11+s3+$0x0], $0xffff  }
0x41: {  	vm13 =	vlt.s32 v7, $0x3FF;
	vm14 =	vlt.s32 v8, $0x3FF;
	v9 =	vld.idx.msk [tilespmem:v9+s3+$0x0], $0xffff  }
0x42: {  	vm15 =	vlt.s32 v3, $0x3FF;
	vm5 =	vgt.s32 v8, $0x0;
	vm4 =	vlt.f32 v12, v5  }
0x43: {  	vm6 =	vgt.s32 v3, $0x0;
	vm0 =	vmand vm4, vm13;
	vm10 =	vlt.f32 v6, v2;
	v6 =	vld.idx.msk [tilespmem:v13+s10+$0x0], $0xffff  }
0x44: {  	s0 =	sshll.u32 s28, $0xE;
	vm9 =	vgt.s32 v7, $0x0;
	v12 =	vsel vm0, $0x1, v60;
	v10 =	vld.idx.msk [tilespmem:v10+s3+$0x0], $0xffff;
	vm11 =	vge.f32 v1, v5  }
0x45: {  	s1 =	simm.s32 $0x0;
	s0 =	sshra.s32 s0, $0x2;
	v1 =	vadd.s32 $0x1, v13;
	vm1 =	vmand vm10, vm14;
	v5 =	vadd.s32 v12, v7  }
0x46: {  	s16 =	simm.s32 $0x30;
	s1 =	sand.u32 $0x400, s1;
	s29 =	sadd.s32 $0xAC00, s0;
	vm14 =	vge.f32 v11, v2;
	vm0 =	vmand vm11, vm9;
	vm12 =	vlt.f32 v9, v4  }
0x47: {  	s7 =	sand.u32 $0x70, s16;
	s8 =	sadd.s32 s1, s29;
	v7 =	vsel vm0, $0xFFFFFFFF, v60;
	v9 =	vsel vm1, $0x1, v60;
	vm13 =	vmand vm12, vm15  }
0x48: {  	s11 =	sadd.s32 s7, s8;
	vm0 =	vmand vm14, vm5;
	v5 =	vadd.s32 v7, v5;
	v7 =	vsel vm13, $0x1, v60  }
0x49: {  	v2 =	vmul.u32 $0x11, v5;
	v5 =	vadd.s32 v9, v8;
	[tilespmem:s11+$0x0] =	vst v6;
	vm15 =	vge.f32 v10, v4  }
0x4a: {  	v8 =	vadd.s32 $0x2, v13;
	v4 =	vsel vm0, $0xFFFFFFFF, v60;
	v1 =	vld.idx.msk [tilespmem:v1+s10+$0x0], $0xffff;
	vm4 =	vmand vm15, vm6  }
0x4b: {  	v3 =	vadd.s32 v7, v3;
	v4 =	vadd.s32 v4, v5;
	v6 =	vsel vm4, $0xFFFFFFFF, v60  }
0x4c: {  	v3 =	vadd.s32 v6, v3;
	v6 =	vmul.u32 $0x11, v4;
	_ =	sdelay $0x1  }
0x4d: {  	v3 =	vmul.u32 $0x11, v3  }
0x4e: {  	v4 =	vld.idx.msk [tilespmem:v2+s10+$0x0], $0xffff;
	[tilespmem:s11+$0x80] =	vst v1  }
0x4f: {  	v1 =	vadd.s32 $0x1, v2;
	v5 =	vld.idx.msk [tilespmem:v8+s10+$0x0], $0xffff  }
0x50: {  	s17 =	simm.s32 $0x0;
	v7 =	vadd.s32 $0x3, v13  }
0x51: {  	s5 =	sand.u32 $0x40, s17;
	v8 =	vld.idx.msk [tilespmem:v6+s10+$0x0], $0xffff  }
0x52: {  	s1 =	sadd.s32 s5, s8;
	v9 =	vadd.s32 $0x1, v6  }
0x53: {  	s18 =	simm.s32 $0x10;
	v10 =	vld.idx.msk [tilespmem:v3+s10+$0x0], $0xffff;
	[tilespmem:s1+$0x0] =	vst v4  }
0x54: {  	s2 =	sand.u32 $0x50, s18;
	v4 =	vadd.s32 $0x1, v3;
	v1 =	vld.idx.msk [tilespmem:v1+s10+$0x0], $0xffff;
	[tilespmem:s11+$0x100] =	vst v5  }
0x55: {  	s4 =	simm.s32 $0x20;
	s12 =	sadd.s32 s2, s8;
	v5 =	vadd.s32 $0x2, v2;
	v7 =	vld.idx.msk [tilespmem:v7+s10+$0x0], $0xffff  }
0x56: {  	s19 =	sand.u32 $0x60, s4;
	v11 =	vadd.s32 $0x4, v13;
	[tilespmem:s12+$0x0] =	vst v8  }
0x57: {  	s6 =	sadd.s32 s19, s8;
	v8 =	vld.idx.msk [tilespmem:v9+s10+$0x0], $0xffff  }
0x58: {  	[tilespmem:s6+$0x0] =	vst v10;
	v9 =	vadd.s32 $0x2, v6  }
0x59: {  	v4 =	vld.idx.msk [tilespmem:v4+s10+$0x0], $0xffff;
	[tilespmem:s1+$0x80] =	vst v1  }
0x5a: {  	v1 =	vadd.s32 $0x2, v3;
	v5 =	vld.idx.msk [tilespmem:v5+s10+$0x0], $0xffff;
	[tilespmem:s11+$0x180] =	vst v7  }
0x5b: {  	s9 =	sadd.s32 $0x40, s26;
	v7 =	vadd.s32 $0x3, v2;
	v10 =	vld.idx.msk [tilespmem:v11+s10+$0x0], $0xffff  }
0x5c: {  	v16 =	vld [tilespmem:s9+$0x10];
	v11 =	vadd.s32 $0x5, v13;
	[tilespmem:s12+$0x80] =	vst v8  }
0x5d: {  	v8 =	vld.idx.msk [tilespmem:v9+s10+$0x0], $0xffff  }
0x5e: {  	v12 =	vld [tilespmem:s9+$0xFFFFFFE0];
	[tilespmem:s6+$0x80] =	vst v4;
	v4 =	vadd.s32 $0x3, v6  }
0x5f: {  	v1 =	vld.idx.msk [tilespmem:v1+s10+$0x0], $0xffff;
	[tilespmem:s1+$0x100] =	vst v5  }
0x60: {  	v5 =	vld.idx.msk [tilespmem:v7+s10+$0x0], $0xffff;
	[tilespmem:s11+$0x200] =	vst v10;
	v10 =	vadd.s32 $0x3, v3  }
0x61: {  	v17 =	vadd.s32 $0x4, v2;
	v7 =	vld.idx.msk [tilespmem:v11+s10+$0x0], $0xffff  }
0x62: {  	v22 =	vadd.s32 $0x6, v13;
	[tilespmem:s12+$0x100] =	vst v8;
	v8 =	vld [tilespmem:s9+$0xFFFFFFF0]  }
0x63: {  	v21 =	vld.idx.msk [tilespmem:v4+s10+$0x0], $0xffff  }
0x64: {  	v31 =	vadd.f32 $3.000000000e+00, v12;
	v18 =	vadd.s32 $0x5, v2;
	v19 =	vadd.s32 $0x4, v6;
	v9 =	vld [tilespmem:s9+$0x0];
	[tilespmem:s6+$0x100] =	vst v1  }
0x65: {  	v23 =	vadd.s32 $0x6, v2;
	v26 =	vadd.s32 $0x7, v2;
	v1 =	vadd.f32 $3.000000000e+00, v16;
	[tilespmem:s1+$0x180] =	vst v5;
	v29 =	vld.idx.msk [tilespmem:v10+s10+$0x0], $0xffff  }
0x66: {  	v31 =	vmul.f32 $1.703333280e+02, v31;
	v24 =	vadd.s32 $0x5, v6;
	v20 =	vadd.s32 $0x4, v3;
	v17 =	vld.idx.msk [tilespmem:v17+s10+$0x0], $0xffff;
	[tilespmem:s11+$0x280] =	vst v7  }
0x67: {  	v27 =	vadd.s32 $0x6, v6;
	v1 =	vmul.f32 $1.703333280e+02, v1;
	v30 =	vadd.f32 $3.000000000e+00, v8;
	v22 =	vld.idx.msk [tilespmem:v22+s10+$0x0], $0xffff  }
0x68: {  	v15 =	vadd.s32 $0x7, v6;
	v25 =	vadd.s32 $0x5, v3;
	[tilespmem:s12+$0x180] =	vst v21;
	v21 =	vadd.s32 $0x7, v13  }
0x69: {  	v32 =	vadd.f32 $3.000000000e+00, v9;
	v1 =	vmax.f32 v1, $0.0e+00;
	v30 =	vmul.f32 $1.703333280e+02, v30;
	v19 =	vld.idx.msk [tilespmem:v19+s10+$0x0], $0xffff  }
0x6a: {  	v28 =	vadd.s32 $0x6, v3;
	v14 =	vadd.s32 $0x7, v3;
	v1 =	vmin.f32 v1, $1.023000000e+03;
	[tilespmem:s6+$0x180] =	vst v29  }
0x6b: {  	v61 =	vtrunc.f32 v1;
	v29 =	vmul.f32 $1.703333280e+02, v32;
	[tilespmem:s1+$0x200] =	vst v17;
	v30 =	vmax.f32 v30, $0.0e+00;
	v20 =	vld.idx.msk [tilespmem:v20+s10+$0x0], $0xffff  }
0x6c: {  	vm5 =	vgt.f32 v1, v61;
	v18 =	vld.idx.msk [tilespmem:v18+s10+$0x0], $0xffff;
	v30 =	vmin.f32 v30, $1.023000000e+03;
	[tilespmem:s11+$0x300] =	vst v22;
	v22 =	vmax.f32 v31, $0.0e+00  }
0x6d: {  	v31 =	vcvt.f32.s32 v61;
	v1 =	vmax.f32 v29, $0.0e+00;
	v17 =	vld.idx.msk [tilespmem:v21+s10+$0x0], $0xffff;
	v21 =	vmin.f32 v22, $1.023000000e+03  }
0x6e: {  	v22 =	vsel vm5, $0x1, v60;
	v1 =	vmin.f32 v1, $1.023000000e+03;
	[tilespmem:s12+$0x200] =	vst v19;
	v19 =	vadd.s32 $0x8, v13  }
0x6f: {  	v29 =	vtrunc.f32 v21;
	v22 =	vadd.s32 v31, v22;
	v31 =	vtrunc.f32 v30  }
0x70: {  	v33 =	vtrunc.f32 v1;
	v24 =	vld.idx.msk [tilespmem:v24+s10+$0x0], $0xffff;
	vm6 =	vlt.s32 v22, $0x3FE;
	v62 =	vadd.s32 $0xFFFFFFFF, v22  }
0x71: {  	vm8 =	vgt.f32 v21, v29;
	vm10 =	vgt.f32 v1, v33;
	v34 =	vnsel vm6, $0x3FE, v22;
	[tilespmem:s6+$0x200] =	vst v20  }
0x72: {  	vm7 =	vgt.s32 v62, $0x0;
	v20 =	vcvt.f32.s32 v29;
	v29 =	vcvt.f32.s32 v33;
	[tilespmem:s1+$0x280] =	vst v18;
	v21 =	vld.idx.msk [tilespmem:v25+s10+$0x0], $0xffff  }
0x73: {  	vm9 =	vgt.f32 v30, v31;
	v25 =	vnsel vm7, $0x0, v62;
	v1 =	vld.idx.msk [tilespmem:v23+s10+$0x0], $0xffff;
	v23 =	vsel vm10, $0x1, v60  }
0x74: {  	v11 =	vadd.s32 $0x8, v2;
	v30 =	vsel vm9, $0x1, v60;
	[tilespmem:s11+$0x380] =	vst v17;
	v23 =	vadd.s32 v29, v23  }
0x75: {  	v17 =	vcvt.f32.s32 v31;
	v18 =	vld.idx.msk [tilespmem:v19+s10+$0x0], $0xffff;
	v19 =	vsel vm8, $0x1, v60;
	v63 =	vadd.s32 $0xFFFFFFFF, v23;
	[tilespmem:s12+$0x280] =	vst v24  }
0x76: {  	v19 =	vadd.s32 v20, v19;
	v20 =	vadd.s32 $0x9, v13;
	vm4 =	vgt.s32 v63, $0x0;
	v24 =	vld.idx.msk [tilespmem:v27+s10+$0x0], $0xffff  }
0x77: {  	v17 =	vadd.s32 v17, v30;
	vm11 =	vlt.s32 v19, $0x3FE;
	v27 =	vld.idx.msk [tilespmem:v34+s3+$0x0], $0xffff;
	v32 =	vnsel vm4, $0x0, v63  }
0x78: {  	s13 =	sadd.s32 $0x800, s8;
	v4 =	vadd.s32 $0x9, v2;
	vm12 =	vlt.s32 v17, $0x3FE;
	v29 =	vnsel vm11, $0x3FE, v19;
	[tilespmem:s6+$0x280] =	vst v21;
	v25 =	vld.idx.msk [tilespmem:v25+s3+$0x0], $0xffff  }
0x79: {  	s16 =	sadd.s32 s7, s13;
	v5 =	vadd.s32 $0x9, v6;
	v10 =	vadd.s32 $0x8, v6;
	v30 =	vnsel vm12, $0x3FE, v17;
	[tilespmem:s1+$0x300] =	vst v1;
	v28 =	vld.idx.msk [tilespmem:v28+s10+$0x0], $0xffff  }
0x7a: {  	v7 =	vadd.s32 $0x8, v3;
	vm13 =	vlt.s32 v23, $0x3FE;
	v21 =	vadd.s32 $0xFFFFFFFF, v19;
	v26 =	vld.idx.msk [tilespmem:v26+s10+$0x0], $0xffff;
	[tilespmem:s16+$0x0] =	vst v18  }
0x7b: {  	vm5 =	vlt.s32 v22, $0x3FF;
	vm14 =	vgt.s32 v21, $0x0;
	v18 =	vnsel vm13, $0x3FE, v23;
	v1 =	vld.idx.msk [tilespmem:v20+s10+$0x0], $0xffff  }
0x7c: {  	vm7 =	vgt.s32 v22, $0x0;
	v31 =	vadd.s32 $0xFFFFFFFF, v17;
	v21 =	vnsel vm14, $0x0, v21;
	[tilespmem:s12+$0x300] =	vst v24;
	v24 =	vld.idx.msk [tilespmem:v32+s3+$0x0], $0xffff  }
0x7d: {  	vm9 =	vlt.s32 v19, $0x3FF;
	vm15 =	vgt.s32 v31, $0x0;
	vm6 =	vlt.f32 v27, v16;
	v27 =	vld.idx.msk [tilespmem:v29+s3+$0x0], $0xffff  }
0x7e: {  	v20 =	vnsel vm15, $0x0, v31;
	vm0 =	vmand vm6, vm5;
	vm8 =	vge.f32 v25, v16;
	v16 =	vld.idx.msk [tilespmem:v30+s3+$0x0], $0xffff  }
0x7f: {  	v31 =	vadd.s32 $0xA, v13;
	v15 =	vld.idx.msk [tilespmem:v15+s10+$0x0], $0xffff;
	v25 =	vsel vm0, $0x1, v60;
	vm10 =	vmand vm8, vm7  }
0x80: {  	vm4 =	vgt.s32 v17, $0x0;
	v18 =	vld.idx.msk [tilespmem:v18+s3+$0x0], $0xffff;
	v29 =	vsel vm10, $0xFFFFFFFF, v60;
	v22 =	vadd.s32 v25, v22  }
0x81: {  	vm11 =	vlt.s32 v17, $0x3FF;
	vm12 =	vlt.s32 v23, $0x3FF;
	v21 =	vld.idx.msk [tilespmem:v21+s3+$0x0], $0xffff;
	[tilespmem:s16+$0x80] =	vst v1;
	v1 =	vadd.s32 v29, v22  }
0x82: {  	vm13 =	vgt.s32 v19, $0x0;
	v1 =	vmul.u32 $0x11, v1;
	vm14 =	vlt.f32 v27, v12  }
0x83: {  	vm15 =	vgt.s32 v23, $0x0;
	v20 =	vld.idx.msk [tilespmem:v20+s3+$0x0], $0xffff;
	vm3 =	vmand vm14, vm9;
	vm9 =	vlt.f32 v16, v8  }
0x84: {  	v22 =	vld.idx.msk [tilespmem:v31+s10+$0x0], $0xffff;
	[tilespmem:s12+$0x380] =	vst v15;
	v16 =	vadd.s32 $0xB, v13;
	vm14 =	vge.f32 v24, v9;
	v15 =	vadd.s32 $0x1, v1  }
0x85: {  	[tilespmem:s6+$0x300] =	vst v28;
	v25 =	vsel vm3, $0x1, v60;
	vm1 =	vmand vm9, vm11;
	vm10 =	vlt.f32 v18, v9  }
0x86: {  	[tilespmem:s1+$0x380] =	vst v26;
	v14 =	vld.idx.msk [tilespmem:v14+s10+$0x0], $0xffff;
	vm11 =	vge.f32 v21, v12;
	vm15 =	vmand vm14, vm15;
	v12 =	vsel vm1, $0x1, v60  }
0x87: {  	v11 =	vld.idx.msk [tilespmem:v11+s10+$0x0], $0xffff;
	vm0 =	vmand vm10, vm12;
	vm12 =	vmand vm11, vm13;
	v18 =	vadd.s32 v25, v19  }
0x88: {  	v10 =	vld.idx.msk [tilespmem:v10+s10+$0x0], $0xffff;
	vm13 =	vge.f32 v20, v8;
	v20 =	vsel vm15, $0xFFFFFFFF, v60;
	v19 =	vsel vm0, $0x1, v60  }
0x89: {  	v21 =	vsel vm12, $0xFFFFFFFF, v60;
	[tilespmem:s16+$0x100] =	vst v22;
	v12 =	vadd.s32 v12, v17;
	vm0 =	vmand vm13, vm4;
	v8 =	vld.idx.msk [tilespmem:v1+s10+$0x0], $0xffff  }
0x8a: {  	s4 =	simm.s32 $0x200;
	v17 =	vadd.s32 $0xC, v13;
	v18 =	vadd.s32 v21, v18;
	v9 =	vld.idx.msk [tilespmem:v16+s10+$0x0], $0xffff;
	v16 =	vsel vm0, $0xFFFFFFFF, v60  }
0x8b: {  	s14 =	sand.u32 $0x400, s4;
	s30 =	sadd.s32 s5, s13;
	s1 =	simm.s32 $0x70;
	[tilespmem:s6+$0x380] =	vst v14;
	v14 =	vadd.s32 v19, v23;
	v21 =	vmul.u32 $0x11, v18;
	v12 =	vadd.s32 v16, v12  }
0x8c: {  	s20 =	sadd.s32 s14, s29;
	s31 =	sadd.s32 s2, s13;
	s8 =	sand.u32 $0x70, s1;
	[tilespmem:s30+$0x0] =	vst v11;
	v7 =	vld.idx.msk [tilespmem:v7+s10+$0x0], $0xffff;
	v11 =	vadd.s32 v20, v14;
	v27 =	vmul.u32 $0x11, v12  }
0x8d: {  	s7 =	sadd.s32 s8, s20;
	v4 =	vld.idx.msk [tilespmem:v4+s10+$0x0], $0xffff;
	[tilespmem:s31+$0x0] =	vst v10;
	v22 =	vmul.u32 $0x11, v11  }
0x8e: {  	v5 =	vld.idx.msk [tilespmem:v5+s10+$0x0], $0xffff;
	[tilespmem:s7+$0x0] =	vst v8  }
0x8f: {  	v12 =	vadd.s32 $0x9, v3;
	v8 =	vld.idx.msk [tilespmem:v15+s10+$0x0], $0xffff;
	[tilespmem:s16+$0x180] =	vst v9  }
0x90: {  	s0 =	sadd.s32 s19, s13;
	v10 =	vadd.s32 $0x2, v1;
	v9 =	vld.idx.msk [tilespmem:v17+s10+$0x0], $0xffff  }
0x91: {  	[tilespmem:s0+$0x0] =	vst v7;
	v15 =	vadd.s32 $0xA, v2;
	v14 =	vld.idx.msk [tilespmem:v21+s10+$0x0], $0xffff  }
0x92: {  	v11 =	vadd.s32 $0xD, v13;
	[tilespmem:s30+$0x80] =	vst v4;
	v7 =	vld.idx.msk [tilespmem:v27+s10+$0x0], $0xffff  }
0x93: {  	s17 =	simm.s32 $0x40;
	v16 =	vadd.s32 $0x1, v21;
	[tilespmem:s31+$0x80] =	vst v5;
	v17 =	vld.idx.msk [tilespmem:v22+s10+$0x0], $0xffff  }
0x94: {  	s18 =	simm.s32 $0x50;
	s12 =	sand.u32 $0x40, s17;
	v24 =	vld.idx.msk [tilespmem:v12+s10+$0x0], $0xffff;
	[tilespmem:s7+$0x80] =	vst v8  }
0x95: {  	s5 =	sand.u32 $0x50, s18;
	s2 =	sadd.s32 s12, s20;
	v18 =	vadd.s32 $0x1, v27;
	v19 =	vld.idx.msk [tilespmem:v10+s10+$0x0], $0xffff;
	[tilespmem:s16+$0x200] =	vst v9  }
0x96: {  	s19 =	simm.s32 $0x60;
	s11 =	sadd.s32 s5, s20;
	v9 =	vadd.s32 $0x1, v22;
	[tilespmem:s2+$0x0] =	vst v14;
	v14 =	vld.idx.msk [tilespmem:v15+s10+$0x0], $0xffff  }
0x97: {  	s13 =	sand.u32 $0x60, s19;
	v0 =	vadd.s32 $0xD, v2;
	v23 =	vadd.s32 $0x3, v1;
	v4 =	vld.idx.msk [tilespmem:v11+s10+$0x0], $0xffff;
	[tilespmem:s11+$0x0] =	vst v7  }
0x98: {  	v50 =	vadd.s32 $0xC, v2;
	v51 =	vadd.s32 $0xB, v3;
	s6 =	sadd.s32 s13, s20;
	v20 =	vadd.s32 $0xA, v6;
	v16 =	vld.idx.msk [tilespmem:v16+s10+$0x0], $0xffff;
	[tilespmem:$0x1FFE0] =	vst v0  }
0x99: {  	v61 =	vadd.s32 $0xF, v6;
	v33 =	vadd.s32 $0xB, v6;
	v15 =	vadd.s32 $0xE, v13;
	[tilespmem:s6+$0x0] =	vst v17  }
0x9a: {  	v62 =	vadd.s32 $0xF, v3;
	v26 =	vadd.s32 $0xA, v3;
	v0 =	vadd.s32 $0xE, v6;
	v18 =	vld.idx.msk [tilespmem:v18+s10+$0x0], $0xffff;
	[tilespmem:s7+$0x100] =	vst v19  }
0x9b: {  	v63 =	vadd.s32 $0xE, v2;
	v55 =	vadd.s32 $0x5, v1;
	v25 =	vadd.s32 $0xB, v2;
	v28 =	vld.idx.msk [tilespmem:v9+s10+$0x0], $0xffff;
	[tilespmem:$0x1FFF0] =	vst v0  }
0x9c: {  	v37 =	vadd.s32 $0x3, v21;
	v44 =	vadd.s32 $0x4, v21;
	v17 =	vadd.s32 $0x2, v21;
	v23 =	vld.idx.msk [tilespmem:v23+s10+$0x0], $0xffff;
	[tilespmem:s16+$0x280] =	vst v4  }
0x9d: {  	v40 =	vadd.s32 $0x5, v21;
	v35 =	vadd.s32 $0x6, v21;
	v19 =	vadd.s32 $0x2, v27;
	[tilespmem:s30+$0x100] =	vst v14;
	v14 =	vld.idx.msk [tilespmem:v20+s10+$0x0], $0xffff  }
0x9e: {  	v31 =	vadd.s32 $0x7, v21;
	v29 =	vadd.s32 $0x2, v22;
	v39 =	vadd.s32 $0x3, v22;
	[tilespmem:s0+$0x80] =	vst v24;
	v15 =	vld.idx.msk [tilespmem:v15+s10+$0x0], $0xffff  }
0x9f: {  	v46 =	vadd.s32 $0x4, v22;
	v41 =	vadd.s32 $0x5, v22;
	v24 =	vadd.s32 $0x4, v1;
	[tilespmem:s2+$0x80] =	vst v16;
	v16 =	vld.idx.msk [tilespmem:v26+s10+$0x0], $0xffff  }
0xa0: {  	v34 =	vadd.s32 $0x6, v22;
	v30 =	vadd.s32 $0x7, v22;
	v38 =	vadd.s32 $0x3, v27;
	v57 =	vld.idx.msk [tilespmem:v25+s10+$0x0], $0xffff;
	[tilespmem:s11+$0x80] =	vst v18  }
0xa1: {  	v47 =	vadd.s32 $0x4, v27;
	v42 =	vadd.s32 $0x5, v27;
	v13 =	vadd.s32 $0xF, v13;
	v43 =	vld.idx.msk [tilespmem:v17+s10+$0x0], $0xffff;
	[tilespmem:s6+$0x80] =	vst v28  }
0xa2: {  	v36 =	vadd.s32 $0x6, v27;
	v32 =	vadd.s32 $0x7, v27;
	v45 =	vadd.s32 $0xC, v27;
	v19 =	vld.idx.msk [tilespmem:v19+s10+$0x0], $0xffff;
	[tilespmem:s7+$0x180] =	vst v23  }
0xa3: {  	v12 =	vadd.s32 $0xC, v6;
	v8 =	vadd.s32 $0xD, v6;
	v10 =	vadd.s32 $0xD, v3;
	v48 =	vld.idx.msk [tilespmem:v29+s10+$0x0], $0xffff;
	[tilespmem:s31+$0x100] =	vst v14  }
0xa4: {  	v11 =	vadd.s32 $0xC, v3;
	v7 =	vadd.s32 $0xF, v2;
	v9 =	vadd.s32 $0xE, v3;
	v53 =	vld.idx.msk [tilespmem:v24+s10+$0x0], $0xffff;
	[tilespmem:s16+$0x300] =	vst v15  }
0xa5: {  	v20 =	vadd.s32 $0x9, v22;
	v26 =	vadd.s32 $0x8, v22;
	v25 =	vadd.s32 $0xF, v21;
	[tilespmem:s0+$0x100] =	vst v16;
	v58 =	vld.idx.msk [tilespmem:v33+s10+$0x0], $0xffff  }
0xa6: {  	v17 =	vadd.s32 $0xA, v21;
	v18 =	vadd.s32 $0xA, v27;
	v28 =	vadd.s32 $0x8, v21;
	v54 =	vld.idx.msk [tilespmem:v13+s10+$0x0], $0xffff;
	[tilespmem:s2+$0x100] =	vst v43  }
0xa7: {  	v29 =	vadd.s32 $0x8, v27;
	v23 =	vadd.s32 $0x9, v21;
	v14 =	vadd.s32 $0xB, v27;
	v49 =	vld.idx.msk [tilespmem:v37+s10+$0x0], $0xffff;
	[tilespmem:s11+$0x100] =	vst v19  }
0xa8: {  	v24 =	vadd.s32 $0x9, v27;
	v15 =	vadd.s32 $0xB, v21;
	v16 =	vadd.s32 $0xB, v22;
	v52 =	vld.idx.msk [tilespmem:v38+s10+$0x0], $0xffff;
	[tilespmem:s6+$0x100] =	vst v48  }
0xa9: {  	v33 =	vadd.s32 $0xE, v27;
	[tilespmem:s30+$0x180] =	vst v57;
	v57 =	vadd.s32 $0x6, v1;
	v13 =	vadd.s32 $0xC, v21;
	v56 =	vld.idx.msk [tilespmem:v39+s10+$0x0], $0xffff  }
0xaa: {  	v43 =	vadd.s32 $0xD, v21;
	v19 =	vadd.s32 $0xA, v22;
	v37 =	vadd.s32 $0xE, v21;
	[tilespmem:s7+$0x200] =	vst v53;
	v53 =	vld.idx.msk [tilespmem:v50+s10+$0x0], $0xffff  }
0xab: {  	v21 =	vadd.s32 $0xF, v27;
	v38 =	vadd.s32 $0xD, v27;
	v48 =	vadd.s32 $0xC, v22;
	[tilespmem:s31+$0x180] =	vst v58;
	v55 =	vld.idx.msk [tilespmem:v55+s10+$0x0], $0xffff  }
0xac: {  	s18 =	simm.s32 $0x4;
	s19 =	sadd.s32 $0x40, s9;
	v27 =	vadd.s32 $0xE, v22;
	v39 =	vadd.s32 $0xD, v22;
	v22 =	vadd.s32 $0xF, v22;
	[tilespmem:s16+$0x380] =	vst v54;
	v54 =	vld.idx.msk [tilespmem:v51+s10+$0x0], $0xffff  }
.LBB2_5:
0xad: {  	v51 =	vld [tilespmem:s19+$0x10];
	v0 =	vmov v48  }
0xae: {  	v50 =	vld [tilespmem:s19+$0xFFFFFFF0];
	[tilespmem:$0x1FFD0] =	vst v0  }
0xaf: {  	v0 =	vld [tilespmem:$0x1FFE0];
	[tilespmem:s2+$0x180] =	vst v49  }
0xb0: {  	v49 =	vld [tilespmem:s19+$0x0];
	[tilespmem:s11+$0x180] =	vst v52  }
0xb1: {  	v52 =	vld [tilespmem:s19+$0xFFFFFFE0];
	[tilespmem:s7+$0x280] =	vst v55  }
0xb2: {  	v55 =	vld.idx.msk [tilespmem:v57+s10+$0x0], $0xffff  }
0xb3: {  	[tilespmem:s6+$0x180] =	vst v56;
	v44 =	vld.idx.msk [tilespmem:v44+s10+$0x0], $0xffff  }
0xb4: {  	[tilespmem:s0+$0x180] =	vst v54;
	v56 =	vadd.s32 $0x7, v1;
	v54 =	vadd.f32 $3.000000000e+00, v51;
	v47 =	vld.idx.msk [tilespmem:v47+s10+$0x0], $0xffff  }
0xb5: {  	[tilespmem:s30+$0x200] =	vst v53;
	v53 =	vadd.f32 $3.000000000e+00, v50;
	v46 =	vld.idx.msk [tilespmem:v46+s10+$0x0], $0xffff;
	v57 =	vadd.f32 $3.000000000e+00, v49  }
0xb6: {  	v59 =	vld.idx.msk [tilespmem:v12+s10+$0x0], $0xffff;
	v54 =	vmul.f32 $1.703333280e+02, v54  }
0xb7: {  	v12 =	vmov v45;
	v53 =	vmul.f32 $1.703333280e+02, v53;
	v45 =	vmul.f32 $1.703333280e+02, v57;
	v57 =	vld.idx.msk [tilespmem:v11+s10+$0x0], $0xffff;
	[tilespmem:s7+$0x300] =	vst v55  }
0xb8: {  	v58 =	vadd.f32 $3.000000000e+00, v52;
	v54 =	vmax.f32 v54, $0.0e+00;
	v55 =	vld.idx.msk [tilespmem:v0+s10+$0x0], $0xffff;
	[tilespmem:s2+$0x200] =	vst v44  }
0xb9: {  	v53 =	vmax.f32 v53, $0.0e+00;
	v54 =	vmin.f32 v54, $1.023000000e+03;
	v0 =	vmov v43;
	[tilespmem:s11+$0x200] =	vst v47;
	v44 =	vld.idx.msk [tilespmem:v56+s10+$0x0], $0xffff  }
0xba: {  	v43 =	vmin.f32 v53, $1.023000000e+03;
	[tilespmem:s6+$0x200] =	vst v46;
	v58 =	vmul.f32 $1.703333280e+02, v58;
	v53 =	vtrunc.f32 v54;
	v40 =	vld.idx.msk [tilespmem:v40+s10+$0x0], $0xffff  }
0xbb: {  	[tilespmem:$0x1FFE0] =	vst v0;
	v42 =	vld.idx.msk [tilespmem:v42+s10+$0x0], $0xffff;
	v56 =	vcvt.f32.s32 v53;
	vm0 =	vgt.f32 v54, v53  }
0xbc: {  	v46 =	vadd.s32 $0x8, v1;
	v41 =	vld.idx.msk [tilespmem:v41+s10+$0x0], $0xffff;
	[tilespmem:s31+$0x200] =	vst v59;
	v48 =	vmax.f32 v58, $0.0e+00;
	v58 =	vsel vm0, $0x1, v60;
	v0 =	vmovc v39  }
0xbd: {  	v45 =	vmax.f32 v45, $0.0e+00;
	v47 =	vmin.f32 v48, $1.023000000e+03;
	v48 =	vadd.s32 v56, v58;
	v58 =	vld.idx.msk [tilespmem:v8+s10+$0x0], $0xffff;
	[tilespmem:$0x1FFB0] =	vst v0  }
0xbe: {  	v54 =	vtrunc.f32 v43;
	v0 =	vld [tilespmem:$0x1FFF0];
	vm6 =	vlt.s32 v48, $0x3FE;
	v56 =	vadd.s32 $0xFFFFFFFF, v48;
	[tilespmem:s0+$0x200] =	vst v57  }
0xbf: {  	v53 =	vtrunc.f32 v47;
	[tilespmem:s30+$0x280] =	vst v55;
	v57 =	vnsel vm6, $0x3FE, v48;
	vm7 =	vgt.s32 v56, $0x0;
	v55 =	vld.idx.msk [tilespmem:v10+s10+$0x0], $0xffff  }
0xc0: {  	v45 =	vmin.f32 v45, $1.023000000e+03;
	vm1 =	vgt.f32 v47, v53;
	[tilespmem:s7+$0x380] =	vst v44;
	v44 =	vld.idx.msk [tilespmem:v63+s10+$0x0], $0xffff;
	v47 =	vnsel vm7, $0x0, v56  }
0xc1: {  	v2 =	vmov v38;
	vm8 =	vgt.f32 v43, v54;
	v38 =	vtrunc.f32 v45;
	[tilespmem:s2+$0x280] =	vst v40;
	v40 =	vld.idx.msk [tilespmem:v46+s10+$0x0], $0xffff  }
0xc2: {  	v43 =	vcvt.f32.s32 v38;
	vm9 =	vgt.f32 v45, v38;
	v10 =	vmovc v37;
	v37 =	vcvt.f32.s32 v54;
	[tilespmem:s11+$0x280] =	vst v42;
	v35 =	vld.idx.msk [tilespmem:v35+s10+$0x0], $0xffff  }
0xc3: {  	v39 =	vcvt.f32.s32 v53;
	v63 =	vsel vm8, $0x1, v60;
	[tilespmem:s6+$0x280] =	vst v41;
	v36 =	vld.idx.msk [tilespmem:v36+s10+$0x0], $0xffff;
	v56 =	vadd.s32 $0x9, v1  }
0xc4: {  	v54 =	vsel vm9, $0x1, v60;
	v59 =	vsel vm1, $0x1, v60;
	v37 =	vadd.s32 v37, v63;
	[tilespmem:s31+$0x280] =	vst v58;
	v42 =	vld.idx.msk [tilespmem:v57+s3+$0x0], $0xffff  }
0xc5: {  	s20 =	sadd.s32 $0x800, s20;
	v38 =	vadd.s32 v39, v59;
	v39 =	vadd.s32 v43, v54;
	vm11 =	vlt.s32 v37, $0x3FE;
	[tilespmem:s0+$0x280] =	vst v55;
	v46 =	vld.idx.msk [tilespmem:v47+s3+$0x0], $0xffff  }
0xc6: {  	s9 =	sadd.s32 s8, s20;
	vm10 =	vlt.s32 v38, $0x3FE;
	v58 =	vadd.s32 $0xFFFFFFFF, v38;
	v54 =	vnsel vm11, $0x3FE, v37;
	[tilespmem:s30+$0x300] =	vst v44;
	v34 =	vld.idx.msk [tilespmem:v34+s10+$0x0], $0xffff  }
0xc7: {  	vm2 =	vgt.s32 v58, $0x0;
	v47 =	vnsel vm10, $0x3FE, v38;
	[tilespmem:s9+$0x0] =	vst v40;
	v40 =	vld.idx.msk [tilespmem:v0+s10+$0x0], $0xffff  }
0xc8: {  	v59 =	vadd.s32 $0xFFFFFFFF, v37;
	vm12 =	vlt.s32 v39, $0x3FE;
	v0 =	vmovc v33;
	v33 =	vnsel vm2, $0x0, v58;
	[tilespmem:s2+$0x300] =	vst v35;
	v56 =	vld.idx.msk [tilespmem:v56+s10+$0x0], $0xffff  }
0xc9: {  	v63 =	vadd.s32 $0xFFFFFFFF, v39;
	vm13 =	vgt.s32 v59, $0x0;
	v55 =	vnsel vm12, $0x3FE, v39;
	[tilespmem:s11+$0x300] =	vst v36;
	v31 =	vld.idx.msk [tilespmem:v31+s10+$0x0], $0xffff  }
0xca: {  	vm14 =	vgt.s32 v63, $0x0;
	v57 =	vnsel vm13, $0x0, v59;
	v32 =	vld.idx.msk [tilespmem:v32+s10+$0x0], $0xffff  }
0xcb: {  	v58 =	vnsel vm14, $0x0, v63;
	v44 =	vld.idx.msk [tilespmem:v54+s3+$0x0], $0xffff  }
0xcc: {  	v63 =	vld.idx.msk [tilespmem:v47+s3+$0x0], $0xffff  }
0xcd: {  	vm9 =	vlt.s32 v48, $0x3FF;
	vm15 =	vlt.s32 v38, $0x3FF;
	vm10 =	vlt.f32 v42, v51;
	[tilespmem:s6+$0x300] =	vst v34;
	v33 =	vld.idx.msk [tilespmem:v33+s3+$0x0], $0xffff  }
0xce: {  	vm11 =	vgt.s32 v48, $0x0;
	vm1 =	vmand vm10, vm9;
	vm4 =	vge.f32 v46, v51;
	[tilespmem:s31+$0x300] =	vst v40;
	v34 =	vld.idx.msk [tilespmem:v55+s3+$0x0], $0xffff  }
0xcf: {  	v59 =	vadd.s32 $0xA, v1;
	v53 =	vsel vm1, $0x1, v60;
	vm12 =	vmand vm4, vm11;
	[tilespmem:s9+$0x80] =	vst v56;
	v56 =	vld.idx.msk [tilespmem:v57+s3+$0x0], $0xffff  }
0xd0: {  	vm3 =	vlt.s32 v37, $0x3FF;
	v57 =	vld.idx.msk [tilespmem:v58+s3+$0x0], $0xffff;
	v54 =	vsel vm12, $0xFFFFFFFF, v60;
	v46 =	vadd.s32 v53, v48  }
0xd1: {  	vm5 =	vgt.s32 v38, $0x0;
	vm13 =	vlt.s32 v39, $0x3FF;
	v30 =	vld.idx.msk [tilespmem:v30+s10+$0x0], $0xffff;
	v55 =	vadd.s32 v54, v46  }
0xd2: {  	vm2 =	vgt.s32 v37, $0x0;
	vm1 =	vgt.s32 v39, $0x0;
	[tilespmem:s11+$0x380] =	vst v32;
	v51 =	vmul.u32 $0x11, v55  }
0xd3: {  	v58 =	vadd.s32 $0xB, v1;
	v29 =	vld.idx.msk [tilespmem:v29+s10+$0x0], $0xffff;
	vm14 =	vlt.f32 v44, v50;
	vm6 =	vlt.f32 v63, v52  }
0xd4: {  	[tilespmem:s2+$0x380] =	vst v31;
	v31 =	vld.idx.msk [tilespmem:v59+s10+$0x0], $0xffff;
	vm10 =	vge.f32 v33, v52;
	vm0 =	vmand vm6, vm15;
	vm15 =	vmand vm14, vm3  }
0xd5: {  	v28 =	vld.idx.msk [tilespmem:v28+s10+$0x0], $0xffff;
	vm9 =	vlt.f32 v34, v49;
	vm12 =	vmand vm10, vm5;
	vm14 =	vge.f32 v57, v49  }
0xd6: {  	v57 =	vld.idx.msk [tilespmem:v9+s10+$0x0], $0xffff;
	[tilespmem:s6+$0x380] =	vst v30;
	v30 =	vadd.s32 $0xC, v1;
	v59 =	vsel vm0, $0x1, v60;
	v63 =	vsel vm15, $0x1, v60  }
0xd7: {  	s16 =	sadd.s32 s5, s20;
	vm11 =	vmand vm9, vm13;
	vm13 =	vge.f32 v56, v50;
	v56 =	vadd.s32 $0x1, v51;
	v26 =	vld.idx.msk [tilespmem:v26+s10+$0x0], $0xffff  }
0xd8: {  	vm15 =	vmand vm14, vm1;
	[tilespmem:s16+$0x0] =	vst v29;
	v44 =	vadd.s32 v59, v38;
	vm0 =	vmand vm13, vm2;
	v46 =	vld.idx.msk [tilespmem:v51+s10+$0x0], $0xffff  }
0xd9: {  	s4 =	sadd.s32 $0x200, s4;
	v11 =	vmovc v27;
	v45 =	vsel vm11, $0x1, v60;
	v33 =	vadd.s32 v63, v37;
	v24 =	vld.idx.msk [tilespmem:v24+s10+$0x0], $0xffff;
	v27 =	vsel vm0, $0xFFFFFFFF, v60;
	[tilespmem:s9+$0x100] =	vst v31  }
0xda: {  	s1 =	sadd.s32 $0x40, s1;
	[tilespmem:$0x1FFC0] =	vst v2;
	s14 =	sadd.s32 s12, s20;
	s5 =	sand.u32 $0x400, s4;
	v59 =	vadd.s32 v45, v39;
	v31 =	vsel vm12, $0xFFFFFFFF, v60;
	v27 =	vadd.s32 v27, v33;
	v47 =	vld.idx.msk [tilespmem:v58+s10+$0x0], $0xffff  }
0xdb: {  	s17 =	sadd.s32 s13, s20;
	s8 =	sand.u32 $0x70, s1;
	s20 =	sadd.s32 s5, s29;
	v9 =	vmovc v25;
	v58 =	vld.idx.msk [tilespmem:v7+s10+$0x0], $0xffff;
	v25 =	vadd.s32 v31, v44;
	v31 =	vsel vm15, $0xFFFFFFFF, v60;
	[tilespmem:s14+$0x0] =	vst v28;
	v27 =	vmul.u32 $0x11, v27  }
0xdc: {  	s7 =	sadd.s32 s8, s20;
	v63 =	vld.idx.msk [tilespmem:v61+s10+$0x0], $0xffff;
	[tilespmem:s0+$0x300] =	vst v57;
	v25 =	vmul.u32 $0x11, v25;
	v28 =	vadd.s32 v31, v59  }
0xdd: {  	v23 =	vld.idx.msk [tilespmem:v23+s10+$0x0], $0xffff;
	v50 =	vmul.u32 $0x11, v28;
	[tilespmem:s7+$0x0] =	vst v46  }
0xde: {  	[tilespmem:s17+$0x0] =	vst v26;
	v28 =	vld.idx.msk [tilespmem:v56+s10+$0x0], $0xffff  }
0xdf: {  	v60 =	vadd.s32 $0x2, v51;
	v45 =	vld.idx.msk [tilespmem:v62+s10+$0x0], $0xffff;
	[tilespmem:s9+$0x180] =	vst v47  }
0xe0: {  	[tilespmem:s30+$0x380] =	vst v58;
	v29 =	vld.idx.msk [tilespmem:v30+s10+$0x0], $0xffff  }
0xe1: {  	v7 =	vmov v21;
	v21 =	vadd.s32 $0xD, v1;
	v48 =	vld.idx.msk [tilespmem:v27+s10+$0x0], $0xffff;
	[tilespmem:s16+$0x80] =	vst v24  }
0xe2: {  	v8 =	vmov v22;
	v38 =	vadd.s32 $0x1, v27;
	[tilespmem:s31+$0x380] =	vst v63;
	v22 =	vld.idx.msk [tilespmem:v25+s10+$0x0], $0xffff  }
0xe3: {  	s11 =	sadd.s32 $0xFFFFFFE0, s1;
	s30 =	smov.u32 s14;
	v57 =	vld.idx.msk [tilespmem:v50+s10+$0x0], $0xffff;
	[tilespmem:s7+$0x80] =	vst v28  }
0xe4: {  	s5 =	sand.u32 $0x50, s11;
	s6 =	sadd.s32 $0xFFFFFFD0, s1;
	v33 =	vadd.s32 $0x1, v25;
	[tilespmem:s30+$0x80] =	vst v23;
	v58 =	vld.idx.msk [tilespmem:v60+s10+$0x0], $0xffff  }
0xe5: {  	s11 =	sadd.s32 s5, s20;
	s12 =	sand.u32 $0x40, s6;
	v39 =	vadd.s32 $0x1, v50;
	[tilespmem:s9+$0x200] =	vst v29;
	v60 =	vld.idx.msk [tilespmem:v20+s10+$0x0], $0xffff  }
0xe6: {  	s13 =	sadd.s32 $0xFFFFFFF0, s1;
	s2 =	sadd.s32 s12, s20;
	[tilespmem:s11+$0x0] =	vst v48;
	v21 =	vld.idx.msk [tilespmem:v21+s10+$0x0], $0xffff  }
0xe7: {  	s13 =	sand.u32 $0x60, s13;
	v59 =	vadd.s32 $0x3, v51;
	v53 =	vadd.s32 $0x2, v27;
	[tilespmem:s2+$0x0] =	vst v22;
	v5 =	vld.idx.msk [tilespmem:v38+s10+$0x0], $0xffff  }
0xe8: {  	s6 =	sadd.s32 s13, s20;
	v54 =	vadd.s32 $0x3, v27;
	v42 =	vadd.s32 $0x5, v27;
	v36 =	vadd.s32 $0x6, v27;
	[tilespmem:s0+$0x380] =	vst v45;
	v62 =	vld.idx.msk [tilespmem:v17+s10+$0x0], $0xffff  }
0xe9: {  	v32 =	vadd.s32 $0x7, v27;
	v61 =	vadd.s32 $0xA, v27;
	v22 =	vadd.s32 $0xE, v1;
	v63 =	vld.idx.msk [tilespmem:v33+s10+$0x0], $0xffff;
	[tilespmem:s6+$0x0] =	vst v57  }
0xea: {  	v2 =	vadd.s32 $0xB, v27;
	v52 =	vadd.s32 $0x2, v25;
	v55 =	vadd.s32 $0x2, v50;
	s0 =	smov.u32 s17;
	v6 =	vld.idx.msk [tilespmem:v39+s10+$0x0], $0xffff;
	[tilespmem:s7+$0x100] =	vst v58  }
0xeb: {  	v46 =	vadd.s32 $0x4, v50;
	v41 =	vadd.s32 $0x5, v50;
	v34 =	vadd.s32 $0x6, v50;
	[tilespmem:s0+$0x80] =	vst v60;
	v60 =	vld.idx.msk [tilespmem:v18+s10+$0x0], $0xffff  }
0xec: {  	[tilespmem:$0x1FFF0] =	vst v0;
	v26 =	vadd.s32 $0x8, v50;
	v3 =	vadd.s32 $0xA, v50;
	v56 =	vadd.s32 $0x3, v50;
	v58 =	vld.idx.msk [tilespmem:v59+s10+$0x0], $0xffff  }
0xed: {  	v47 =	vadd.s32 $0x4, v27;
	v30 =	vadd.s32 $0x7, v50;
	v24 =	vadd.s32 $0x9, v27;
	v18 =	vmovc v61;
	[tilespmem:s9+$0x280] =	vst v21;
	v61 =	vld.idx.msk [tilespmem:v19+s10+$0x0], $0xffff  }
0xee: {  	v29 =	vadd.s32 $0x8, v27;
	v20 =	vadd.s32 $0x9, v50;
	v45 =	vadd.s32 $0xC, v27;
	[tilespmem:s11+$0x80] =	vst v5;
	v59 =	vld.idx.msk [tilespmem:v22+s10+$0x0], $0xffff  }
0xef: {  	v48 =	vadd.s32 $0xC, v50;
	v38 =	vadd.s32 $0xD, v27;
	v57 =	vadd.s32 $0xB, v50;
	[tilespmem:s2+$0x80] =	vst v63;
	v63 =	vmovc v10;
	v10 =	vld [tilespmem:$0x1FFB0]  }
0xf0: {  	v33 =	vadd.s32 $0xE, v27;
	v39 =	vadd.s32 $0xD, v50;
	v21 =	vadd.s32 $0xF, v27;
	[tilespmem:s30+$0x100] =	vst v62;
	v5 =	vld.idx.msk [tilespmem:v53+s10+$0x0], $0xffff  }
0xf1: {  	s31 =	smov.u32 s16;
	v27 =	vadd.s32 $0xE, v50;
	v19 =	vmovc v3;
	v22 =	vadd.s32 $0xF, v50;
	v50 =	vadd.s32 $0x4, v51;
	v3 =	vld.idx.msk [tilespmem:v52+s10+$0x0], $0xffff;
	[tilespmem:s6+$0x80] =	vst v6  }
0xf2: {  	v62 =	vadd.s32 $0xF, v1;
	v6 =	vld.idx.msk [tilespmem:v55+s10+$0x0], $0xffff;
	[tilespmem:s31+$0x100] =	vst v60  }
0xf3: {  	[tilespmem:s7+$0x180] =	vst v58;
	v58 =	vld.idx.msk [tilespmem:v15+s10+$0x0], $0xffff  }
0xf4: {  	v0 =	vadd.s32 $0xB, v25;
	[tilespmem:s0+$0x100] =	vst v61;
	v61 =	vmovc v7;
	v7 =	vmov v9;
	v9 =	vmov v11;
	v11 =	vld [tilespmem:$0x1FFD0]  }
0xf5: {  	v49 =	vadd.s32 $0x3, v25;
	v15 =	vmov v0;
	v0 =	vld.idx.msk [tilespmem:v14+s10+$0x0], $0xffff  }
0xf6: {  	v50 =	vld.idx.msk [tilespmem:v50+s10+$0x0], $0xffff;
	[tilespmem:s9+$0x300] =	vst v59  }
0xf7: {  	v1 =	vmov v51;
	v51 =	vld.idx.msk [tilespmem:v62+s10+$0x0], $0xffff  }
0xf8: {  	s18 =	sadd.s32 $0x4, s18;
	v53 =	vadd.s32 $0x5, v1;
	[tilespmem:s11+$0x100] =	vst v5;
	v62 =	vmov v8;
	v8 =	vld [tilespmem:$0x1FFC0]  }
0xf9: {  	p2 =	slt.u32 s18, $0xC;
	[tilespmem:s2+$0x100] =	vst v3;
	v52 =	vld.idx.msk [tilespmem:v54+s10+$0x0], $0xffff  }
.Ltmp0:
0xfa: {  	v44 =	vadd.s32 $0x4, v25;
	v40 =	vadd.s32 $0x5, v25;
	v49 =	vld.idx.msk [tilespmem:v49+s10+$0x0], $0xffff;
	[tilespmem:s6+$0x100] =	vst v6;
	(pc) =	sbr.rel @p2 .LBB2_5-.Ltmp0, $4  }
0xfb: {  	v35 =	vadd.s32 $0x6, v25;
	v31 =	vadd.s32 $0x7, v25;
	v4 =	vadd.s32 $0xC, v25;
	v56 =	vld.idx.msk [tilespmem:v56+s10+$0x0], $0xffff;
	[tilespmem:s30+$0x180] =	vst v58  }
0xfc: {  	v43 =	vadd.s32 $0xD, v25;
	v37 =	vadd.s32 $0xE, v25;
	v23 =	vadd.s32 $0x9, v25;
	v54 =	vld.idx.msk [tilespmem:v16+s10+$0x0], $0xffff;
	[tilespmem:s7+$0x200] =	vst v50  }
0xfd: {  	v28 =	vadd.s32 $0x8, v25;
	v17 =	vadd.s32 $0xA, v25;
	v25 =	vadd.s32 $0xF, v25;
	[tilespmem:s31+$0x180] =	vst v0;
	v55 =	vld.idx.msk [tilespmem:v53+s10+$0x0], $0xffff  }
0xfe: {  	s19 =	sadd.s32 $0x40, s19;
	v60 =	vimm.s32 $0x0;
	v14 =	vmovc v2;
	v16 =	vmovc v57;
	v57 =	vadd.s32 $0x6, v1;
	[tilespmem:s9+$0x380] =	vst v51;
	v53 =	vld.idx.msk [tilespmem:v13+s10+$0x0], $0xffff;
	v13 =	vmov v4  }
0xff: {  	_ =	sdelay $0x2  }
0x100: {  	[tilespmem:s2+$0x180] =	vst v49  }
0x101: {  	[tilespmem:s11+$0x180] =	vst v52;
	v0 =	vld.idx.msk [tilespmem:v44+s10+$0x0], $0xffff  }
0x102: {  	[tilespmem:s6+$0x180] =	vst v56;
	v2 =	vld.idx.msk [tilespmem:v47+s10+$0x0], $0xffff  }
0x103: {  	v3 =	vld.idx.msk [tilespmem:v46+s10+$0x0], $0xffff;
	_ =	sdelay $0x2  }
0x104: {  	[tilespmem:s2+$0x200] =	vst v0  }
0x105: {  	[tilespmem:s11+$0x200] =	vst v2;
	v0 =	vld.idx.msk [tilespmem:v40+s10+$0x0], $0xffff  }
0x106: {  	v2 =	vld.idx.msk [tilespmem:v42+s10+$0x0], $0xffff;
	[tilespmem:s6+$0x200] =	vst v3  }
0x107: {  	v3 =	vld.idx.msk [tilespmem:v41+s10+$0x0], $0xffff;
	_ =	sdelay $0x1  }
0x108: {  	[tilespmem:s7+$0x280] =	vst v55  }
0x109: {  	v4 =	vld.idx.msk [tilespmem:v57+s10+$0x0], $0xffff;
	[tilespmem:s2+$0x280] =	vst v0  }
0x10a: {  	v58 =	vadd.s32 $0x7, v1;
	[tilespmem:s11+$0x280] =	vst v2;
	v5 =	vld.idx.msk [tilespmem:v35+s10+$0x0], $0xffff  }
0x10b: {  	v2 =	vld.idx.msk [tilespmem:v36+s10+$0x0], $0xffff;
	[tilespmem:s6+$0x280] =	vst v3  }
0x10c: {  	v3 =	vld.idx.msk [tilespmem:v34+s10+$0x0], $0xffff;
	_ =	sdelay $0x1  }
0x10d: {  	[tilespmem:s7+$0x300] =	vst v4  }
0x10e: {  	v0 =	vld.idx.msk [tilespmem:v58+s10+$0x0], $0xffff;
	[tilespmem:s2+$0x300] =	vst v5  }
0x10f: {  	v59 =	vadd.s32 $0x8, v1;
	[tilespmem:s11+$0x300] =	vst v2;
	v5 =	vld.idx.msk [tilespmem:v31+s10+$0x0], $0xffff  }
0x110: {  	v2 =	vld.idx.msk [tilespmem:v32+s10+$0x0], $0xffff;
	[tilespmem:s6+$0x300] =	vst v3  }
0x111: {  	v3 =	vld.idx.msk [tilespmem:v30+s10+$0x0], $0xffff;
	_ =	sdelay $0x1  }
0x112: {  	[tilespmem:s7+$0x380] =	vst v0  }
0x113: {  	v0 =	vld.idx.msk [tilespmem:v59+s10+$0x0], $0xffff;
	[tilespmem:s2+$0x380] =	vst v5  }
0x114: {  	v32 =	vadd.s32 $0x9, v1;
	[tilespmem:s11+$0x380] =	vst v2;
	v34 =	vld.idx.msk [tilespmem:v28+s10+$0x0], $0xffff  }
0x115: {  	v35 =	vld.idx.msk [tilespmem:v29+s10+$0x0], $0xffff;
	[tilespmem:s6+$0x380] =	vst v3  }
0x116: {  	s19 =	sadd.s32 $0x800, s20;
	v3 =	vld.idx.msk [tilespmem:v26+s10+$0x0], $0xffff  }
0x117: {  	s4 =	sadd.s32 s8, s19;
	[tilespmem:s0+$0x180] =	vst v54  }
0x118: {  	v6 =	vld.idx.msk [tilespmem:v12+s10+$0x0], $0xffff;
	s1 =	sadd.s32 s12, s19;
	[tilespmem:s4+$0x0] =	vst v0  }
0x119: {  	s20 =	sadd.s32 s5, s19;
	v0 =	vld.idx.msk [tilespmem:v32+s10+$0x0], $0xffff;
	[tilespmem:s1+$0x0] =	vst v34  }
0x11a: {  	s29 =	sadd.s32 s13, s19;
	v36 =	vadd.s32 $0xA, v1;
	[tilespmem:s20+$0x0] =	vst v35;
	v40 =	vld.idx.msk [tilespmem:v23+s10+$0x0], $0xffff  }
0x11b: {  	v5 =	vld.idx.msk [tilespmem:v24+s10+$0x0], $0xffff;
	[tilespmem:s29+$0x0] =	vst v3  }
0x11c: {  	[tilespmem:s30+$0x200] =	vst v53;
	v3 =	vld.idx.msk [tilespmem:v20+s10+$0x0], $0xffff  }
0x11d: {  	[tilespmem:s31+$0x200] =	vst v6  }
0x11e: {  	v11 =	vld.idx.msk [tilespmem:v11+s10+$0x0], $0xffff;
	[tilespmem:s4+$0x80] =	vst v0  }
0x11f: {  	v0 =	vld.idx.msk [tilespmem:v36+s10+$0x0], $0xffff;
	[tilespmem:s1+$0x80] =	vst v40  }
0x120: {  	v41 =	vadd.s32 $0xB, v1;
	[tilespmem:s20+$0x80] =	vst v5;
	v4 =	vld.idx.msk [tilespmem:v17+s10+$0x0], $0xffff  }
0x121: {  	[tilespmem:s29+$0x80] =	vst v3;
	v42 =	vld.idx.msk [tilespmem:v18+s10+$0x0], $0xffff  }
0x122: {  	v6 =	vld [tilespmem:$0x1FFE0]  }
0x123: {  	v44 =	vld.idx.msk [tilespmem:v19+s10+$0x0], $0xffff  }
0x124: {  	v8 =	vld.idx.msk [tilespmem:v8+s10+$0x0], $0xffff;
	[tilespmem:s4+$0x100] =	vst v0  }
0x125: {  	[tilespmem:s0+$0x200] =	vst v11;
	v0 =	vld.idx.msk [tilespmem:v41+s10+$0x0], $0xffff  }
0x126: {  	v46 =	vadd.s32 $0xC, v1;
	v50 =	vld.idx.msk [tilespmem:v10+s10+$0x0], $0xffff;
	[tilespmem:s1+$0x100] =	vst v4  }
0x127: {  	[tilespmem:s20+$0x100] =	vst v42;
	v47 =	vld.idx.msk [tilespmem:v15+s10+$0x0], $0xffff  }
0x128: {  	[tilespmem:s29+$0x100] =	vst v44;
	v49 =	vld.idx.msk [tilespmem:v14+s10+$0x0], $0xffff  }
0x129: {  	[tilespmem:s31+$0x280] =	vst v8;
	v5 =	vld.idx.msk [tilespmem:v16+s10+$0x0], $0xffff  }
0x12a: {  	[tilespmem:s4+$0x180] =	vst v0;
	v6 =	vld.idx.msk [tilespmem:v6+s10+$0x0], $0xffff  }
0x12b: {  	[tilespmem:s0+$0x280] =	vst v50;
	v0 =	vld.idx.msk [tilespmem:v46+s10+$0x0], $0xffff  }
0x12c: {  	v51 =	vadd.s32 $0xD, v1;
	[tilespmem:s1+$0x180] =	vst v47  }
0x12d: {  	[tilespmem:s20+$0x180] =	vst v49;
	v3 =	vld.idx.msk [tilespmem:v13+s10+$0x0], $0xffff  }
0x12e: {  	[tilespmem:s29+$0x180] =	vst v5;
	v4 =	vld.idx.msk [tilespmem:v45+s10+$0x0], $0xffff  }
0x12f: {  	v5 =	vld.idx.msk [tilespmem:v48+s10+$0x0], $0xffff;
	[tilespmem:s30+$0x280] =	vst v6  }
0x130: {  	v6 =	vld [tilespmem:$0x1FFF0];
	[tilespmem:s4+$0x200] =	vst v0  }
0x131: {  	v0 =	vld.idx.msk [tilespmem:v51+s10+$0x0], $0xffff  }
0x132: {  	v53 =	vadd.s32 $0xE, v1;
	v54 =	vld.idx.msk [tilespmem:v9+s10+$0x0], $0xffff  }
0x133: {  	v52 =	vld.idx.msk [tilespmem:v63+s10+$0x0], $0xffff;
	[tilespmem:s1+$0x200] =	vst v3  }
0x134: {  	[tilespmem:s20+$0x200] =	vst v4;
	v3 =	vld.idx.msk [tilespmem:v43+s10+$0x0], $0xffff  }
0x135: {  	v4 =	vld.idx.msk [tilespmem:v38+s10+$0x0], $0xffff;
	[tilespmem:s29+$0x200] =	vst v5  }
0x136: {  	v5 =	vld.idx.msk [tilespmem:v39+s10+$0x0], $0xffff;
	[tilespmem:s4+$0x280] =	vst v0  }
0x137: {  	[tilespmem:s0+$0x300] =	vst v54;
	v0 =	vld.idx.msk [tilespmem:v53+s10+$0x0], $0xffff  }
0x138: {  	[tilespmem:s30+$0x300] =	vst v52;
	v6 =	vld.idx.msk [tilespmem:v6+s10+$0x0], $0xffff  }
0x139: {  	v55 =	vadd.s32 $0xF, v1;
	v7 =	vld.idx.msk [tilespmem:v7+s10+$0x0], $0xffff;
	[tilespmem:s1+$0x280] =	vst v3  }
0x13a: {  	[tilespmem:s20+$0x280] =	vst v4;
	v56 =	vld.idx.msk [tilespmem:v37+s10+$0x0], $0xffff  }
0x13b: {  	[tilespmem:s29+$0x280] =	vst v5;
	v57 =	vld.idx.msk [tilespmem:v33+s10+$0x0], $0xffff  }
0x13c: {  	v58 =	vld.idx.msk [tilespmem:v27+s10+$0x0], $0xffff;
	[tilespmem:s4+$0x300] =	vst v0  }
0x13d: {  	[tilespmem:s31+$0x300] =	vst v6;
	v6 =	vld.idx.msk [tilespmem:v62+s10+$0x0], $0xffff  }
0x13e: {  	[tilespmem:s30+$0x380] =	vst v7;
	v0 =	vld.idx.msk [tilespmem:v55+s10+$0x0], $0xffff  }
0x13f: {  	v59 =	vld.idx.msk [tilespmem:v61+s10+$0x0], $0xffff;
	[tilespmem:s1+$0x300] =	vst v56  }
0x140: {  	[tilespmem:s20+$0x300] =	vst v57;
	v61 =	vld.idx.msk [tilespmem:v25+s10+$0x0], $0xffff  }
0x141: {  	s28 =	sadd.s32 $0x1, s28;
	[tilespmem:s29+$0x300] =	vst v58;
	v62 =	vld.idx.msk [tilespmem:v21+s10+$0x0], $0xffff  }
0x142: {  	p2 =	sne.s32 s28, $0xA;
	v63 =	vld.idx.msk [tilespmem:v22+s10+$0x0], $0xffff;
	[tilespmem:s0+$0x380] =	vst v6  }
.Ltmp1:
0x143: {  	[tilespmem:s4+$0x380] =	vst v0;
	(pc) =	sbr.rel @p2 .LBB2_4-.Ltmp1, $4  }
0x144: {  	[tilespmem:s31+$0x380] =	vst v59  }
0x145: {  	[tilespmem:s1+$0x380] =	vst v61  }
0x146: {  	[tilespmem:s20+$0x380] =	vst v62  }
0x147: {  	s26 =	sadd.s32 $0x100, s26;
	[tilespmem:s29+$0x380] =	vst v63  }
0x148: {  	s0 =	smul.u32 $0xA0000, s22;
	_ =	sdelay $0x1  }
0x149: {  	s1 =	simm.s32 $0x20000;
	s2 =	simm.s32 $0xAC00;
	s0 =	sadd.s32 s0, s21  }
0x14a: {  	[hbm4b:s0+s15] =	stream.strided.scatter [tilespmem:s2], [sflag:$0x1], $0xA000, s1, s15, $0x38;
	[tilespmem:$0x1EC00] =	vst v63  }
0x14b: {  	s0 =	simm.s32 @!p1 $0x2  }
0x14c: {  	_ =	swait.ge @!p1 [sflag:s0], $0xA000  }
0x14d: {  	s25 =	sadd.s32 $0xA, s25;
	s26 =	simm.s32 $0x0;
	[sflag:s0] =	ssyncset.done @!p1 $0x0  }
0x14e: {  	s28 =	smov.u32 s24;
	s29 =	simm.s32 $0x0;
	[sflag:s0] =	ssyncadd.s32 @!p1 $0xFFFF6000  }
.LBB2_8:
0x14f: {  	v0 =	vld [tilespmem:s28+$0x0];
	_ =	sdelay $0x3  }
0x150: {  	v3 =	vld [tilespmem:s28+$0xFFFFFFF0]  }
0x151: {  	v2 =	vadd.f32 $3.000000000e+00, v0  }
0x152: {  	v1 =	vld [tilespmem:s28+$0xFFFFFFE0]  }
0x153: {  	v4 =	vld [tilespmem:s28+$0xFFFFFFD0];
	v2 =	vmul.f32 $1.703333280e+02, v2;
	_ =	sdelay $0x1  }
0x154: {  	v6 =	vadd.f32 $3.000000000e+00, v3;
	v2 =	vmax.f32 v2, $0.0e+00  }
0x155: {  	v2 =	vmin.f32 v2, $1.023000000e+03  }
0x156: {  	v5 =	vadd.f32 $3.000000000e+00, v1;
	v6 =	vmul.f32 $1.703333280e+02, v6;
	v7 =	vtrunc.f32 v2  }
0x157: {  	v8 =	vadd.f32 $3.000000000e+00, v4;
	v9 =	vcvt.f32.s32 v7;
	vm0 =	vgt.f32 v2, v7  }
0x158: {  	v6 =	vmax.f32 v6, $0.0e+00;
	v2 =	vmul.f32 $1.703333280e+02, v5;
	v5 =	vsel vm0, $0x1, v60  }
0x159: {  	v6 =	vmin.f32 v6, $1.023000000e+03;
	v5 =	vadd.s32 v9, v5  }
0x15a: {  	v7 =	vmul.f32 $1.703333280e+02, v8;
	vm12 =	vlt.s32 v5, $0x3FE;
	v8 =	vadd.s32 $0xFFFFFFFF, v5  }
0x15b: {  	v12 =	vtrunc.f32 v6;
	v9 =	vnsel vm12, $0x3FE, v5;
	vm13 =	vgt.s32 v8, $0x0  }
0x15c: {  	v2 =	vmax.f32 v2, $0.0e+00;
	v7 =	vmax.f32 v7, $0.0e+00;
	v8 =	vnsel vm13, $0x0, v8  }
0x15d: {  	vm15 =	vgt.f32 v6, v12;
	v7 =	vmin.f32 v7, $1.023000000e+03;
	v2 =	vmin.f32 v2, $1.023000000e+03  }
0x15e: {  	vm7 =	vlt.s32 v5, $0x3FF;
	vm8 =	vgt.s32 v5, $0x0;
	v10 =	vtrunc.f32 v7  }
0x15f: {  	v11 =	vtrunc.f32 v2;
	v13 =	vcvt.f32.s32 v10;
	vm14 =	vgt.f32 v7, v10  }
0x160: {  	v7 =	vcvt.f32.s32 v11;
	vm1 =	vgt.f32 v2, v11;
	v10 =	vsel vm14, $0x1, v60;
	v9 =	vld.idx.msk [tilespmem:v9+s3+$0x0], $0xffff  }
0x161: {  	v2 =	vcvt.f32.s32 v12;
	v11 =	vsel vm1, $0x1, v60;
	v6 =	vadd.s32 v13, v10;
	v8 =	vld.idx.msk [tilespmem:v8+s3+$0x0], $0xffff  }
0x162: {  	v10 =	vsel vm15, $0x1, v60;
	v7 =	vadd.s32 v7, v11;
	vm4 =	vlt.s32 v6, $0x3FE  }
0x163: {  	v10 =	vadd.s32 v2, v10;
	v2 =	vadd.s32 $0xFFFFFFFF, v6;
	vm5 =	vlt.s32 v7, $0x3FE  }
0x164: {  	v11 =	vadd.s32 $0xFFFFFFFF, v7;
	v12 =	vnsel vm4, $0x3FE, v6;
	vm6 =	vgt.s32 v2, $0x0  }
0x165: {  	v14 =	vnsel vm5, $0x3FE, v7;
	vm10 =	vlt.s32 v10, $0x3FE;
	vm2 =	vlt.f32 v9, v0  }
0x166: {  	vm11 =	vgt.s32 v11, $0x0;
	vm1 =	vmand vm2, vm7;
	vm3 =	vge.f32 v8, v0  }
0x167: {  	v0 =	vnsel vm6, $0x0, v2;
	v2 =	vsel vm1, $0x1, v60;
	vm9 =	vmand vm3, vm8  }
0x168: {  	v9 =	vnsel vm11, $0x0, v11;
	v8 =	vsel vm9, $0xFFFFFFFF, v60;
	v2 =	vadd.s32 v2, v5  }
0x169: {  	v5 =	vnsel vm10, $0x3FE, v10;
	v2 =	vadd.s32 v8, v2  }
0x16a: {  	v11 =	vld.idx.msk [tilespmem:v12+s3+$0x0], $0xffff;
	v8 =	vadd.s32 $0xFFFFFFFF, v10;
	v13 =	vmul.u32 $0x11, v2  }
0x16b: {  	vm12 =	vgt.s32 v8, $0x0;
	v2 =	vld.idx.msk [tilespmem:v14+s3+$0x0], $0xffff  }
0x16c: {  	v8 =	vnsel vm12, $0x0, v8;
	v0 =	vld.idx.msk [tilespmem:v0+s3+$0x0], $0xffff  }
0x16d: {  	v9 =	vld.idx.msk [tilespmem:v9+s3+$0x0], $0xffff  }
0x16e: {  	vm13 =	vlt.s32 v6, $0x3FF;
	vm14 =	vlt.s32 v7, $0x3FF;
	v5 =	vld.idx.msk [tilespmem:v5+s3+$0x0], $0xffff  }
0x16f: {  	vm15 =	vlt.s32 v10, $0x3FF;
	vm5 =	vgt.s32 v7, $0x0;
	vm4 =	vlt.f32 v11, v4  }
0x170: {  	vm6 =	vgt.s32 v10, $0x0;
	vm9 =	vgt.s32 v6, $0x0;
	vm0 =	vmand vm4, vm13;
	v11 =	vld.idx.msk [tilespmem:v13+s10+$0x0], $0xffff  }
0x171: {  	s0 =	sshll.u32 s29, $0xE;
	vm10 =	vlt.f32 v2, v1;
	v2 =	vsel vm0, $0x1, v60;
	v8 =	vld.idx.msk [tilespmem:v8+s3+$0x0], $0xffff;
	vm11 =	vge.f32 v0, v4  }
0x172: {  	s0 =	sshra.s32 s0, $0x2;
	v0 =	vadd.s32 $0x1, v13;
	vm1 =	vmand vm10, vm14;
	v2 =	vadd.s32 v2, v6  }
0x173: {  	s11 =	simm.s32 $0x30;
	s1 =	sand.u32 $0x400, s26;
	s30 =	sadd.s32 $0x14C00, s0;
	vm14 =	vge.f32 v9, v1;
	vm0 =	vmand vm11, vm9;
	vm12 =	vlt.f32 v5, v3  }
0x174: {  	s7 =	sand.u32 $0x70, s11;
	s8 =	sadd.s32 s1, s30;
	v4 =	vsel vm0, $0xFFFFFFFF, v60;
	v5 =	vsel vm1, $0x1, v60;
	vm0 =	vmand vm14, vm5  }
0x175: {  	s11 =	sadd.s32 s7, s8;
	vm13 =	vmand vm12, vm15;
	v2 =	vadd.s32 v4, v2;
	v1 =	vadd.s32 v5, v7  }
0x176: {  	v5 =	vadd.s32 $0x2, v13;
	v2 =	vmul.u32 $0x11, v2;
	[tilespmem:s11+$0x0] =	vst v11;
	vm15 =	vge.f32 v8, v3  }
0x177: {  	v4 =	vsel vm13, $0x1, v60;
	v3 =	vsel vm0, $0xFFFFFFFF, v60;
	v0 =	vld.idx.msk [tilespmem:v0+s10+$0x0], $0xffff;
	vm4 =	vmand vm15, vm6  }
0x178: {  	v4 =	vadd.s32 v4, v10;
	v1 =	vadd.s32 v3, v1;
	v6 =	vsel vm4, $0xFFFFFFFF, v60  }
0x179: {  	v3 =	vadd.s32 v6, v4;
	v6 =	vmul.u32 $0x11, v1;
	_ =	sdelay $0x1  }
0x17a: {  	v3 =	vmul.u32 $0x11, v3  }
0x17b: {  	v1 =	vld.idx.msk [tilespmem:v2+s10+$0x0], $0xffff;
	[tilespmem:s11+$0x80] =	vst v0  }
0x17c: {  	v0 =	vadd.s32 $0x1, v2;
	v4 =	vld.idx.msk [tilespmem:v5+s10+$0x0], $0xffff  }
0x17d: {  	s12 =	simm.s32 $0x0;
	v5 =	vadd.s32 $0x3, v13  }
0x17e: {  	s2 =	sand.u32 $0x40, s12;
	v7 =	vld.idx.msk [tilespmem:v6+s10+$0x0], $0xffff  }
0x17f: {  	s1 =	sadd.s32 s2, s8;
	v8 =	vadd.s32 $0x1, v6  }
0x180: {  	s13 =	simm.s32 $0x10;
	v9 =	vld.idx.msk [tilespmem:v3+s10+$0x0], $0xffff;
	[tilespmem:s1+$0x0] =	vst v1  }
0x181: {  	s0 =	sand.u32 $0x50, s13;
	v1 =	vadd.s32 $0x1, v3;
	v0 =	vld.idx.msk [tilespmem:v0+s10+$0x0], $0xffff;
	[tilespmem:s11+$0x100] =	vst v4  }
0x182: {  	s4 =	simm.s32 $0x20;
	s6 =	sadd.s32 s0, s8;
	v4 =	vadd.s32 $0x2, v2;
	v5 =	vld.idx.msk [tilespmem:v5+s10+$0x0], $0xffff  }
0x183: {  	s4 =	sand.u32 $0x60, s4;
	v10 =	vadd.s32 $0x4, v13;
	[tilespmem:s6+$0x0] =	vst v7  }
0x184: {  	s9 =	sadd.s32 $0x40, s28;
	s5 =	sadd.s32 s4, s8;
	v7 =	vld.idx.msk [tilespmem:v8+s10+$0x0], $0xffff  }
0x185: {  	v12 =	vld [tilespmem:s9+$0xFFFFFFD0];
	[tilespmem:s5+$0x0] =	vst v9;
	v8 =	vadd.s32 $0x2, v6  }
0x186: {  	v1 =	vld.idx.msk [tilespmem:v1+s10+$0x0], $0xffff;
	[tilespmem:s1+$0x80] =	vst v0  }
0x187: {  	v0 =	vadd.s32 $0x2, v3;
	v4 =	vld.idx.msk [tilespmem:v4+s10+$0x0], $0xffff;
	[tilespmem:s11+$0x180] =	vst v5  }
0x188: {  	v5 =	vadd.s32 $0x3, v2;
	v9 =	vld.idx.msk [tilespmem:v10+s10+$0x0], $0xffff  }
0x189: {  	v16 =	vld [tilespmem:s9+$0x0];
	v10 =	vadd.s32 $0x5, v13;
	[tilespmem:s6+$0x80] =	vst v7  }
0x18a: {  	v7 =	vld.idx.msk [tilespmem:v8+s10+$0x0], $0xffff  }
0x18b: {  	[tilespmem:s5+$0x80] =	vst v1;
	v1 =	vadd.s32 $0x3, v6;
	v8 =	vld [tilespmem:s9+$0xFFFFFFE0]  }
0x18c: {  	v0 =	vld.idx.msk [tilespmem:v0+s10+$0x0], $0xffff;
	[tilespmem:s1+$0x100] =	vst v4  }
0x18d: {  	v30 =	vadd.f32 $3.000000000e+00, v12;
	v18 =	vadd.s32 $0x3, v3;
	v5 =	vld.idx.msk [tilespmem:v5+s10+$0x0], $0xffff;
	[tilespmem:s11+$0x200] =	vst v9  }
0x18e: {  	v10 =	vld.idx.msk [tilespmem:v10+s10+$0x0], $0xffff  }
0x18f: {  	v22 =	vadd.s32 $0x6, v13;
	v30 =	vmul.f32 $1.703333280e+02, v30;
	v9 =	vld [tilespmem:s9+$0xFFFFFFF0];
	[tilespmem:s6+$0x100] =	vst v7  }
0x190: {  	v17 =	vadd.s32 $0x4, v2;
	v19 =	vadd.s32 $0x5, v2;
	v23 =	vadd.s32 $0x6, v2;
	v1 =	vld.idx.msk [tilespmem:v1+s10+$0x0], $0xffff  }
0x191: {  	v26 =	vadd.s32 $0x7, v2;
	v11 =	vadd.s32 $0x8, v2;
	v20 =	vadd.s32 $0x4, v6;
	[tilespmem:s5+$0x100] =	vst v0  }
0x192: {  	v24 =	vadd.s32 $0x5, v6;
	v27 =	vadd.s32 $0x6, v6;
	v0 =	vadd.f32 $3.000000000e+00, v16;
	v18 =	vld.idx.msk [tilespmem:v18+s10+$0x0], $0xffff  }
0x193: {  	v15 =	vadd.s32 $0x7, v6;
	v21 =	vadd.s32 $0x4, v3;
	v25 =	vadd.s32 $0x5, v3;
	[tilespmem:s11+$0x280] =	vst v10  }
0x194: {  	v28 =	vadd.s32 $0x6, v3;
	v29 =	vadd.f32 $3.000000000e+00, v8;
	[tilespmem:s1+$0x180] =	vst v5;
	v0 =	vmul.f32 $1.703333280e+02, v0;
	v22 =	vld.idx.msk [tilespmem:v22+s10+$0x0], $0xffff  }
0x195: {  	v14 =	vadd.s32 $0x7, v3;
	v31 =	vadd.f32 $3.000000000e+00, v9;
	[tilespmem:s6+$0x180] =	vst v1;
	v1 =	vld.idx.msk [tilespmem:v17+s10+$0x0], $0xffff;
	v17 =	vadd.s32 $0x7, v13  }
0x196: {  	v4 =	vadd.s32 $0x9, v2;
	v29 =	vmul.f32 $1.703333280e+02, v29;
	v0 =	vmax.f32 v0, $0.0e+00;
	v20 =	vld.idx.msk [tilespmem:v20+s10+$0x0], $0xffff  }
0x197: {  	v7 =	vadd.s32 $0x8, v3;
	v0 =	vmin.f32 v0, $1.023000000e+03;
	[tilespmem:s5+$0x180] =	vst v18;
	v18 =	vmul.f32 $1.703333280e+02, v31  }
0x198: {  	v5 =	vadd.s32 $0x9, v6;
	v29 =	vmax.f32 v29, $0.0e+00;
	v31 =	vtrunc.f32 v0  }
0x199: {  	v29 =	vmin.f32 v29, $1.023000000e+03;
	v21 =	vld.idx.msk [tilespmem:v21+s10+$0x0], $0xffff;
	vm5 =	vgt.f32 v0, v31;
	v0 =	vmax.f32 v18, $0.0e+00;
	[tilespmem:s11+$0x300] =	vst v22  }
0x19a: {  	v18 =	vsel vm5, $0x1, v60;
	v22 =	vmax.f32 v30, $0.0e+00;
	v30 =	vcvt.f32.s32 v31;
	[tilespmem:s1+$0x200] =	vst v1;
	v1 =	vld.idx.msk [tilespmem:v17+s10+$0x0], $0xffff  }
0x19b: {  	v0 =	vmin.f32 v0, $1.023000000e+03;
	v17 =	vmin.f32 v22, $1.023000000e+03;
	v19 =	vld.idx.msk [tilespmem:v19+s10+$0x0], $0xffff;
	[tilespmem:s6+$0x200] =	vst v20;
	v20 =	vadd.s32 $0x8, v13  }
0x19c: {  	v32 =	vtrunc.f32 v0;
	v22 =	vtrunc.f32 v17;
	v18 =	vadd.s32 v30, v18;
	v24 =	vld.idx.msk [tilespmem:v24+s10+$0x0], $0xffff  }
0x19d: {  	v30 =	vtrunc.f32 v29;
	vm6 =	vlt.s32 v18, $0x3FE;
	v31 =	vadd.s32 $0xFFFFFFFF, v18  }
0x19e: {  	vm10 =	vgt.f32 v0, v32;
	[tilespmem:s5+$0x200] =	vst v21;
	v33 =	vnsel vm6, $0x3FE, v18;
	vm7 =	vgt.s32 v31, $0x0  }
0x19f: {  	v21 =	vcvt.f32.s32 v22;
	vm8 =	vgt.f32 v17, v22;
	v17 =	vld.idx.msk [tilespmem:v25+s10+$0x0], $0xffff;
	v22 =	vnsel vm7, $0x0, v31;
	[tilespmem:s11+$0x380] =	vst v1  }
0x1a0: {  	vm9 =	vgt.f32 v29, v30;
	v25 =	vcvt.f32.s32 v32;
	[tilespmem:s1+$0x280] =	vst v19;
	v19 =	vld.idx.msk [tilespmem:v20+s10+$0x0], $0xffff;
	v20 =	vsel vm8, $0x1, v60  }
0x1a1: {  	v1 =	vcvt.f32.s32 v30;
	v0 =	vld.idx.msk [tilespmem:v23+s10+$0x0], $0xffff;
	[tilespmem:s6+$0x280] =	vst v24;
	v20 =	vadd.s32 v21, v20;
	v21 =	vadd.s32 $0x9, v13  }
0x1a2: {  	v29 =	vsel vm9, $0x1, v60;
	v23 =	vsel vm10, $0x1, v60;
	v24 =	vld.idx.msk [tilespmem:v27+s10+$0x0], $0xffff;
	vm11 =	vlt.s32 v20, $0x3FE  }
0x1a3: {  	s8 =	sadd.s32 $0x800, s8;
	v27 =	vadd.s32 v1, v29;
	v23 =	vadd.s32 v25, v23;
	v1 =	vld.idx.msk [tilespmem:v33+s3+$0x0], $0xffff;
	v25 =	vnsel vm11, $0x3FE, v20  }
0x1a4: {  	s16 =	sadd.s32 s7, s8;
	v10 =	vadd.s32 $0x8, v6;
	vm5 =	vlt.s32 v18, $0x3FF;
	[tilespmem:s5+$0x280] =	vst v17;
	vm12 =	vlt.s32 v27, $0x3FE;
	v22 =	vld.idx.msk [tilespmem:v22+s3+$0x0], $0xffff  }
0x1a5: {  	v17 =	vadd.s32 $0xFFFFFFFF, v20;
	vm13 =	vlt.s32 v23, $0x3FE;
	v28 =	vld.idx.msk [tilespmem:v28+s10+$0x0], $0xffff;
	v29 =	vnsel vm12, $0x3FE, v27;
	[tilespmem:s16+$0x0] =	vst v19  }
0x1a6: {  	v30 =	vadd.s32 $0xFFFFFFFF, v27;
	vm14 =	vgt.s32 v17, $0x0;
	v19 =	vnsel vm13, $0x3FE, v23;
	[tilespmem:s1+$0x300] =	vst v0;
	v0 =	vld.idx.msk [tilespmem:v21+s10+$0x0], $0xffff  }
0x1a7: {  	vm7 =	vgt.s32 v18, $0x0;
	vm15 =	vgt.s32 v30, $0x0;
	v17 =	vnsel vm14, $0x0, v17;
	v26 =	vld.idx.msk [tilespmem:v26+s10+$0x0], $0xffff  }
0x1a8: {  	v31 =	vadd.s32 $0xFFFFFFFF, v23;
	v21 =	vnsel vm15, $0x0, v30;
	v30 =	vadd.s32 $0xA, v13;
	[tilespmem:s6+$0x300] =	vst v24;
	v25 =	vld.idx.msk [tilespmem:v25+s3+$0x0], $0xffff  }
0x1a9: {  	vm9 =	vlt.s32 v20, $0x3FF;
	vm4 =	vgt.s32 v31, $0x0;
	vm6 =	vlt.f32 v1, v16;
	v15 =	vld.idx.msk [tilespmem:v15+s10+$0x0], $0xffff  }
0x1aa: {  	v31 =	vnsel vm4, $0x0, v31;
	vm0 =	vmand vm6, vm5;
	vm8 =	vge.f32 v22, v16;
	v16 =	vld.idx.msk [tilespmem:v29+s3+$0x0], $0xffff  }
0x1ab: {  	vm11 =	vlt.s32 v27, $0x3FF;
	v1 =	vsel vm0, $0x1, v60;
	vm10 =	vmand vm8, vm7;
	v19 =	vld.idx.msk [tilespmem:v19+s3+$0x0], $0xffff  }
0x1ac: {  	vm12 =	vlt.s32 v23, $0x3FF;
	v17 =	vld.idx.msk [tilespmem:v17+s3+$0x0], $0xffff;
	v22 =	vsel vm10, $0xFFFFFFFF, v60;
	v1 =	vadd.s32 v1, v18;
	[tilespmem:s16+$0x80] =	vst v0  }
0x1ad: {  	vm13 =	vgt.s32 v20, $0x0;
	vm4 =	vgt.s32 v27, $0x0;
	v0 =	vadd.s32 v22, v1;
	v18 =	vld.idx.msk [tilespmem:v30+s10+$0x0], $0xffff  }
0x1ae: {  	vm15 =	vgt.s32 v23, $0x0;
	v1 =	vmul.u32 $0x11, v0;
	v0 =	vld.idx.msk [tilespmem:v21+s3+$0x0], $0xffff;
	vm14 =	vlt.f32 v25, v12  }
0x1af: {  	v21 =	vld.idx.msk [tilespmem:v31+s3+$0x0], $0xffff;
	vm3 =	vmand vm14, vm9;
	vm9 =	vlt.f32 v16, v8;
	v16 =	vadd.s32 $0xB, v13  }
0x1b0: {  	[tilespmem:s5+$0x300] =	vst v28;
	v22 =	vsel vm3, $0x1, v60;
	vm1 =	vmand vm9, vm11;
	vm10 =	vlt.f32 v19, v9  }
0x1b1: {  	v14 =	vld.idx.msk [tilespmem:v14+s10+$0x0], $0xffff;
	[tilespmem:s1+$0x380] =	vst v26;
	vm11 =	vge.f32 v17, v12;
	v12 =	vsel vm1, $0x1, v60;
	vm0 =	vmand vm10, vm12  }
0x1b2: {  	v11 =	vld.idx.msk [tilespmem:v11+s10+$0x0], $0xffff;
	[tilespmem:s6+$0x380] =	vst v15;
	vm12 =	vmand vm11, vm13;
	v17 =	vadd.s32 v22, v20;
	v19 =	vsel vm0, $0x1, v60  }
0x1b3: {  	v10 =	vld.idx.msk [tilespmem:v10+s10+$0x0], $0xffff;
	v20 =	vsel vm12, $0xFFFFFFFF, v60;
	vm13 =	vge.f32 v0, v8;
	v8 =	vadd.s32 v12, v27  }
0x1b4: {  	[tilespmem:s16+$0x100] =	vst v18;
	vm14 =	vge.f32 v21, v9;
	v12 =	vadd.s32 $0x1, v1;
	v0 =	vld.idx.msk [tilespmem:v1+s10+$0x0], $0xffff;
	vm0 =	vmand vm13, vm4  }
0x1b5: {  	s1 =	simm.s32 $0x200;
	vm15 =	vmand vm14, vm15;
	v17 =	vadd.s32 v20, v17;
	v9 =	vld.idx.msk [tilespmem:v16+s10+$0x0], $0xffff;
	v15 =	vsel vm0, $0xFFFFFFFF, v60  }
0x1b6: {  	s31 =	sadd.s32 s2, s8;
	s14 =	sand.u32 $0x400, s1;
	s6 =	simm.s32 $0x70;
	[tilespmem:s5+$0x380] =	vst v14;
	v16 =	vadd.s32 $0xC, v13;
	v21 =	vmul.u32 $0x11, v17;
	v8 =	vadd.s32 v15, v8  }
0x1b7: {  	s0 =	sadd.s32 s0, s8;
	s2 =	sadd.s32 s14, s30;
	s20 =	sand.u32 $0x70, s6;
	v7 =	vld.idx.msk [tilespmem:v7+s10+$0x0], $0xffff;
	v14 =	vadd.s32 v19, v23;
	[tilespmem:s31+$0x0] =	vst v11;
	v18 =	vsel vm15, $0xFFFFFFFF, v60;
	v27 =	vmul.u32 $0x11, v8  }
0x1b8: {  	s18 =	sadd.s32 s20, s2;
	v4 =	vld.idx.msk [tilespmem:v4+s10+$0x0], $0xffff;
	[tilespmem:s0+$0x0] =	vst v10;
	v11 =	vadd.s32 v18, v14  }
0x1b9: {  	v5 =	vld.idx.msk [tilespmem:v5+s10+$0x0], $0xffff;
	v14 =	vadd.s32 $0xA, v2;
	v22 =	vmul.u32 $0x11, v11;
	[tilespmem:s18+$0x0] =	vst v0  }
0x1ba: {  	v0 =	vld.idx.msk [tilespmem:v12+s10+$0x0], $0xffff;
	[tilespmem:s16+$0x180] =	vst v9  }
0x1bb: {  	s4 =	sadd.s32 s4, s8;
	v11 =	vadd.s32 $0x9, v3;
	v8 =	vld.idx.msk [tilespmem:v16+s10+$0x0], $0xffff  }
0x1bc: {  	[tilespmem:s4+$0x0] =	vst v7;
	v9 =	vadd.s32 $0x2, v1;
	v12 =	vld.idx.msk [tilespmem:v21+s10+$0x0], $0xffff  }
0x1bd: {  	v10 =	vadd.s32 $0xD, v13;
	[tilespmem:s31+$0x80] =	vst v4;
	v7 =	vld.idx.msk [tilespmem:v27+s10+$0x0], $0xffff  }
0x1be: {  	s15 =	simm.s32 $0x40;
	v15 =	vadd.s32 $0x1, v21;
	[tilespmem:s0+$0x80] =	vst v5;
	v14 =	vld.idx.msk [tilespmem:v14+s10+$0x0], $0xffff  }
0x1bf: {  	s17 =	simm.s32 $0x50;
	s13 =	sand.u32 $0x40, s15;
	v16 =	vld.idx.msk [tilespmem:v22+s10+$0x0], $0xffff;
	[tilespmem:s18+$0x80] =	vst v0;
	v0 =	vadd.s32 $0x1, v27  }
0x1c0: {  	s7 =	sand.u32 $0x50, s17;
	s11 =	sadd.s32 s13, s2;
	v18 =	vadd.s32 $0xA, v6;
	v20 =	vld.idx.msk [tilespmem:v11+s10+$0x0], $0xffff;
	[tilespmem:s16+$0x200] =	vst v8  }
0x1c1: {  	s19 =	simm.s32 $0x60;
	s12 =	sadd.s32 s7, s2;
	v17 =	vadd.s32 $0x1, v22;
	v9 =	vld.idx.msk [tilespmem:v9+s10+$0x0], $0xffff;
	[tilespmem:s11+$0x0] =	vst v12  }
0x1c2: {  	v24 =	vadd.s32 $0xB, v2;
	s5 =	sand.u32 $0x60, s19;
	v5 =	vadd.s32 $0xD, v2;
	v4 =	vld.idx.msk [tilespmem:v10+s10+$0x0], $0xffff;
	[tilespmem:s12+$0x0] =	vst v7  }
0x1c3: {  	v50 =	vadd.s32 $0xC, v2;
	s8 =	sadd.s32 s5, s2;
	v19 =	vadd.s32 $0x3, v1;
	v15 =	vld.idx.msk [tilespmem:v15+s10+$0x0], $0xffff;
	[tilespmem:$0x1FFA0] =	vst v5  }
0x1c4: {  	v62 =	vadd.s32 $0xE, v2;
	v63 =	vadd.s32 $0xE, v6;
	v26 =	vadd.s32 $0xA, v3;
	v0 =	vld.idx.msk [tilespmem:v0+s10+$0x0], $0xffff;
	[tilespmem:s8+$0x0] =	vst v16  }
0x1c5: {  	v59 =	vadd.s32 $0xF, v6;
	v51 =	vadd.s32 $0xB, v3;
	v23 =	vadd.s32 $0xE, v13;
	[tilespmem:s31+$0x100] =	vst v14;
	v14 =	vld.idx.msk [tilespmem:v18+s10+$0x0], $0xffff  }
0x1c6: {  	v61 =	vadd.s32 $0xF, v3;
	v25 =	vadd.s32 $0xB, v6;
	v54 =	vadd.s32 $0x5, v1;
	[tilespmem:s4+$0x80] =	vst v20;
	v17 =	vld.idx.msk [tilespmem:v17+s10+$0x0], $0xffff  }
0x1c7: {  	v13 =	vadd.s32 $0xF, v13;
	v33 =	vadd.s32 $0x3, v21;
	v16 =	vadd.s32 $0x2, v21;
	[tilespmem:s18+$0x100] =	vst v9;
	v57 =	vld.idx.msk [tilespmem:v24+s10+$0x0], $0xffff  }
0x1c8: {  	v44 =	vadd.s32 $0x4, v21;
	v40 =	vadd.s32 $0x5, v21;
	v28 =	vadd.s32 $0x2, v27;
	v19 =	vld.idx.msk [tilespmem:v19+s10+$0x0], $0xffff;
	[tilespmem:s16+$0x280] =	vst v4  }
0x1c9: {  	v35 =	vadd.s32 $0x6, v21;
	v31 =	vadd.s32 $0x7, v21;
	v29 =	vadd.s32 $0x2, v22;
	[tilespmem:s11+$0x80] =	vst v15;
	v15 =	vld.idx.msk [tilespmem:v26+s10+$0x0], $0xffff  }
0x1ca: {  	v43 =	vadd.s32 $0xD, v21;
	v37 =	vadd.s32 $0x3, v27;
	v20 =	vld.idx.msk [tilespmem:v23+s10+$0x0], $0xffff;
	v23 =	vadd.s32 $0x4, v1;
	[tilespmem:s12+$0x80] =	vst v0  }
0x1cb: {  	v39 =	vadd.s32 $0x3, v22;
	v47 =	vadd.s32 $0x4, v27;
	v46 =	vadd.s32 $0x4, v22;
	[tilespmem:s0+$0x100] =	vst v14  }
0x1cc: {  	v42 =	vadd.s32 $0x5, v27;
	v41 =	vadd.s32 $0x5, v22;
	v36 =	vadd.s32 $0x6, v27;
	v16 =	vld.idx.msk [tilespmem:v16+s10+$0x0], $0xffff;
	[tilespmem:s8+$0x80] =	vst v17  }
0x1cd: {  	v34 =	vadd.s32 $0x6, v22;
	v32 =	vadd.s32 $0x7, v27;
	v30 =	vadd.s32 $0x7, v22;
	v0 =	vld.idx.msk [tilespmem:v28+s10+$0x0], $0xffff;
	[tilespmem:s31+$0x180] =	vst v57  }
0x1ce: {  	v45 =	vadd.s32 $0xC, v27;
	v11 =	vadd.s32 $0xC, v3;
	v12 =	vadd.s32 $0xC, v6;
	v38 =	vld.idx.msk [tilespmem:v29+s10+$0x0], $0xffff;
	[tilespmem:s18+$0x180] =	vst v19  }
0x1cf: {  	v8 =	vadd.s32 $0xD, v6;
	v10 =	vadd.s32 $0xD, v3;
	v7 =	vadd.s32 $0xF, v2;
	[tilespmem:s4+$0x100] =	vst v15;
	v48 =	vld.idx.msk [tilespmem:v23+s10+$0x0], $0xffff  }
0x1d0: {  	v18 =	vadd.s32 $0xA, v27;
	v9 =	vadd.s32 $0xE, v3;
	v24 =	vadd.s32 $0x9, v27;
	v58 =	vld.idx.msk [tilespmem:v25+s10+$0x0], $0xffff;
	[tilespmem:s16+$0x300] =	vst v20  }
0x1d1: {  	v26 =	vadd.s32 $0x8, v22;
	v14 =	vadd.s32 $0xB, v27;
	v28 =	vadd.s32 $0x8, v21;
	v53 =	vld.idx.msk [tilespmem:v13+s10+$0x0], $0xffff;
	[tilespmem:s11+$0x100] =	vst v16  }
0x1d2: {  	v17 =	vadd.s32 $0xA, v21;
	v25 =	vadd.s32 $0xF, v21;
	v57 =	vadd.s32 $0x6, v1;
	v49 =	vld.idx.msk [tilespmem:v33+s10+$0x0], $0xffff;
	[tilespmem:s12+$0x100] =	vst v0  }
0x1d3: {  	v29 =	vadd.s32 $0x8, v27;
	v15 =	vadd.s32 $0xB, v21;
	v19 =	vadd.s32 $0xA, v22;
	v52 =	vld.idx.msk [tilespmem:v37+s10+$0x0], $0xffff;
	[tilespmem:s8+$0x100] =	vst v38  }
0x1d4: {  	v23 =	vadd.s32 $0x9, v21;
	v20 =	vadd.s32 $0x9, v22;
	v13 =	vadd.s32 $0xC, v21;
	v56 =	vld.idx.msk [tilespmem:v39+s10+$0x0], $0xffff;
	[tilespmem:s18+$0x200] =	vst v48  }
0x1d5: {  	v16 =	vadd.s32 $0xB, v22;
	v33 =	vadd.s32 $0xE, v27;
	v38 =	vadd.s32 $0xD, v27;
	v55 =	vld.idx.msk [tilespmem:v54+s10+$0x0], $0xffff  }
0x1d6: {  	[tilespmem:s0+$0x180] =	vst v58;
	v37 =	vadd.s32 $0xE, v21;
	v21 =	vadd.s32 $0xF, v27;
	v27 =	vadd.s32 $0xE, v22;
	v54 =	vld.idx.msk [tilespmem:v51+s10+$0x0], $0xffff  }
0x1d7: {  	s9 =	sadd.s32 $0x40, s9;
	s19 =	simm.s32 $0x4;
	v48 =	vadd.s32 $0xC, v22;
	v39 =	vadd.s32 $0xD, v22;
	v22 =	vadd.s32 $0xF, v22;
	[tilespmem:s16+$0x380] =	vst v53;
	v53 =	vld.idx.msk [tilespmem:v50+s10+$0x0], $0xffff  }
.LBB2_9:
0x1d8: {  	_ =	sdelay $0x2  }
0x1d9: {  	v51 =	vld [tilespmem:s9+$0x0];
	[tilespmem:s18+$0x280] =	vst v55  }
0x1da: {  	v0 =	vld.idx.msk [tilespmem:v57+s10+$0x0], $0xffff;
	_ =	sdelay $0x1  }
0x1db: {  	v50 =	vld [tilespmem:s9+$0xFFFFFFE0]  }
0x1dc: {  	[tilespmem:s11+$0x180] =	vst v49;
	v49 =	vld [tilespmem:s9+$0xFFFFFFF0]  }
0x1dd: {  	[tilespmem:s12+$0x180] =	vst v52;
	v52 =	vld [tilespmem:s9+$0xFFFFFFD0]  }
0x1de: {  	[tilespmem:s18+$0x300] =	vst v0;
	v0 =	vld [tilespmem:$0x1FFA0]  }
0x1df: {  	[tilespmem:s8+$0x180] =	vst v56;
	v47 =	vld.idx.msk [tilespmem:v47+s10+$0x0], $0xffff  }
0x1e0: {  	[tilespmem:s4+$0x180] =	vst v54;
	v54 =	vadd.f32 $3.000000000e+00, v51  }
0x1e1: {  	v46 =	vld.idx.msk [tilespmem:v46+s10+$0x0], $0xffff  }
0x1e2: {  	v44 =	vld.idx.msk [tilespmem:v44+s10+$0x0], $0xffff;
	v55 =	vadd.s32 $0x7, v1;
	v54 =	vmul.f32 $1.703333280e+02, v54;
	v56 =	vadd.f32 $3.000000000e+00, v49  }
0x1e3: {  	[tilespmem:s31+$0x200] =	vst v53;
	v53 =	vadd.f32 $3.000000000e+00, v50;
	v58 =	vld.idx.msk [tilespmem:v12+s10+$0x0], $0xffff  }
0x1e4: {  	v2 =	vmovc v48;
	v12 =	vmovc v45;
	v57 =	vadd.f32 $3.000000000e+00, v52;
	v54 =	vmax.f32 v54, $0.0e+00;
	v45 =	vmul.f32 $1.703333280e+02, v56;
	v56 =	vld.idx.msk [tilespmem:v11+s10+$0x0], $0xffff;
	[tilespmem:s12+$0x200] =	vst v47  }
0x1e5: {  	[tilespmem:$0x1FF70] =	vst v2;
	v53 =	vmul.f32 $1.703333280e+02, v53;
	v54 =	vmin.f32 v54, $1.023000000e+03;
	v42 =	vld.idx.msk [tilespmem:v42+s10+$0x0], $0xffff  }
0x1e6: {  	[tilespmem:s8+$0x200] =	vst v46;
	v48 =	vmul.f32 $1.703333280e+02, v57;
	v57 =	vtrunc.f32 v54;
	v0 =	vld.idx.msk [tilespmem:v0+s10+$0x0], $0xffff  }
0x1e7: {  	v2 =	vmovc v43;
	v53 =	vmax.f32 v53, $0.0e+00;
	vm0 =	vgt.f32 v54, v57;
	[tilespmem:s11+$0x200] =	vst v44;
	v44 =	vld.idx.msk [tilespmem:v55+s10+$0x0], $0xffff;
	v55 =	vcvt.f32.s32 v57  }
0x1e8: {  	[tilespmem:$0x1FFA0] =	vst v2;
	v43 =	vmin.f32 v53, $1.023000000e+03;
	v41 =	vld.idx.msk [tilespmem:v41+s10+$0x0], $0xffff;
	v48 =	vmax.f32 v48, $0.0e+00;
	v57 =	vsel vm0, $0x1, v60  }
0x1e9: {  	v46 =	vadd.s32 $0x8, v1;
	[tilespmem:s0+$0x200] =	vst v58;
	v47 =	vmin.f32 v48, $1.023000000e+03;
	v40 =	vld.idx.msk [tilespmem:v40+s10+$0x0], $0xffff;
	v48 =	vadd.s32 v55, v57  }
0x1ea: {  	v45 =	vmax.f32 v45, $0.0e+00;
	v57 =	vld.idx.msk [tilespmem:v8+s10+$0x0], $0xffff;
	[tilespmem:s12+$0x280] =	vst v42;
	vm6 =	vlt.s32 v48, $0x3FE;
	v55 =	vadd.s32 $0xFFFFFFFF, v48  }
0x1eb: {  	v53 =	vtrunc.f32 v47;
	[tilespmem:s4+$0x200] =	vst v56;
	v36 =	vld.idx.msk [tilespmem:v36+s10+$0x0], $0xffff;
	v56 =	vnsel vm6, $0x3FE, v48;
	vm7 =	vgt.s32 v55, $0x0  }
0x1ec: {  	v45 =	vmin.f32 v45, $1.023000000e+03;
	vm1 =	vgt.f32 v47, v53;
	[tilespmem:s31+$0x280] =	vst v0;
	v0 =	vld.idx.msk [tilespmem:v10+s10+$0x0], $0xffff;
	v47 =	vnsel vm7, $0x0, v55  }
0x1ed: {  	v4 =	vmov v38;
	v54 =	vtrunc.f32 v43;
	v38 =	vtrunc.f32 v45;
	[tilespmem:s18+$0x380] =	vst v44;
	v44 =	vld.idx.msk [tilespmem:v62+s10+$0x0], $0xffff  }
0x1ee: {  	v2 =	vmovc v37;
	v37 =	vcvt.f32.s32 v54;
	vm8 =	vgt.f32 v43, v54;
	v43 =	vcvt.f32.s32 v38;
	[tilespmem:s11+$0x280] =	vst v40;
	v40 =	vld.idx.msk [tilespmem:v46+s10+$0x0], $0xffff  }
0x1ef: {  	v3 =	vmovc v39;
	v39 =	vcvt.f32.s32 v53;
	[tilespmem:s8+$0x280] =	vst v41;
	v55 =	vadd.s32 $0x9, v1;
	v62 =	vsel vm8, $0x1, v60;
	v35 =	vld.idx.msk [tilespmem:v35+s10+$0x0], $0xffff  }
0x1f0: {  	vm9 =	vgt.f32 v45, v38;
	v58 =	vsel vm1, $0x1, v60;
	v37 =	vadd.s32 v37, v62;
	[tilespmem:s0+$0x280] =	vst v57;
	v42 =	vld.idx.msk [tilespmem:v56+s3+$0x0], $0xffff  }
0x1f1: {  	s2 =	sadd.s32 $0x800, s2;
	v54 =	vsel vm9, $0x1, v60;
	v38 =	vadd.s32 v39, v58;
	vm11 =	vlt.s32 v37, $0x3FE;
	v46 =	vld.idx.msk [tilespmem:v47+s3+$0x0], $0xffff;
	[tilespmem:s4+$0x280] =	vst v0  }
0x1f2: {  	s16 =	sadd.s32 s20, s2;
	vm10 =	vlt.s32 v38, $0x3FE;
	v56 =	vadd.s32 $0xFFFFFFFF, v38;
	v62 =	vnsel vm11, $0x3FE, v37;
	v34 =	vld.idx.msk [tilespmem:v34+s10+$0x0], $0xffff;
	[tilespmem:s31+$0x300] =	vst v44  }
0x1f3: {  	v39 =	vadd.s32 v43, v54;
	v0 =	vnsel vm10, $0x3FE, v38;
	vm2 =	vgt.s32 v56, $0x0;
	[tilespmem:s16+$0x0] =	vst v40;
	v40 =	vld.idx.msk [tilespmem:v63+s10+$0x0], $0xffff  }
0x1f4: {  	vm12 =	vlt.s32 v39, $0x3FE;
	v10 =	vmovc v33;
	v57 =	vadd.s32 $0xFFFFFFFF, v37;
	v33 =	vnsel vm2, $0x0, v56;
	[tilespmem:s12+$0x300] =	vst v36;
	v54 =	vld.idx.msk [tilespmem:v55+s10+$0x0], $0xffff  }
0x1f5: {  	v58 =	vadd.s32 $0xFFFFFFFF, v39;
	v53 =	vnsel vm12, $0x3FE, v39;
	vm13 =	vgt.s32 v57, $0x0;
	[tilespmem:s11+$0x300] =	vst v35;
	v32 =	vld.idx.msk [tilespmem:v32+s10+$0x0], $0xffff  }
0x1f6: {  	vm14 =	vgt.s32 v58, $0x0;
	v55 =	vnsel vm13, $0x0, v57;
	v31 =	vld.idx.msk [tilespmem:v31+s10+$0x0], $0xffff  }
0x1f7: {  	v56 =	vnsel vm14, $0x0, v58;
	v58 =	vld.idx.msk [tilespmem:v62+s3+$0x0], $0xffff  }
0x1f8: {  	v57 =	vadd.s32 $0xA, v1;
	v0 =	vld.idx.msk [tilespmem:v0+s3+$0x0], $0xffff  }
0x1f9: {  	vm15 =	vlt.s32 v38, $0x3FF;
	vm9 =	vlt.s32 v48, $0x3FF;
	vm10 =	vlt.f32 v42, v51;
	[tilespmem:s8+$0x300] =	vst v34;
	v33 =	vld.idx.msk [tilespmem:v33+s3+$0x0], $0xffff  }
0x1fa: {  	vm11 =	vgt.s32 v48, $0x0;
	vm1 =	vmand vm10, vm9;
	vm4 =	vge.f32 v46, v51;
	[tilespmem:s0+$0x300] =	vst v40;
	v34 =	vld.idx.msk [tilespmem:v53+s3+$0x0], $0xffff  }
0x1fb: {  	vm5 =	vgt.s32 v38, $0x0;
	v62 =	vsel vm1, $0x1, v60;
	vm12 =	vmand vm4, vm11;
	[tilespmem:s16+$0x80] =	vst v54;
	v46 =	vld.idx.msk [tilespmem:v55+s3+$0x0], $0xffff  }
0x1fc: {  	vm3 =	vlt.s32 v37, $0x3FF;
	v63 =	vsel vm12, $0xFFFFFFFF, v60;
	v44 =	vadd.s32 v62, v48;
	[tilespmem:s12+$0x380] =	vst v32;
	v30 =	vld.idx.msk [tilespmem:v30+s10+$0x0], $0xffff  }
0x1fd: {  	v47 =	vadd.s32 $0xB, v1;
	vm2 =	vgt.s32 v37, $0x0;
	v44 =	vadd.s32 v63, v44;
	[tilespmem:s11+$0x380] =	vst v31;
	v31 =	vld.idx.msk [tilespmem:v57+s10+$0x0], $0xffff  }
0x1fe: {  	vm13 =	vlt.s32 v39, $0x3FF;
	v29 =	vld.idx.msk [tilespmem:v29+s10+$0x0], $0xffff;
	v51 =	vmul.u32 $0x11, v44;
	vm6 =	vlt.f32 v0, v52  }
0x1ff: {  	vm1 =	vgt.s32 v39, $0x0;
	vm14 =	vlt.f32 v58, v50;
	v0 =	vld.idx.msk [tilespmem:v56+s3+$0x0], $0xffff;
	vm0 =	vmand vm6, vm15  }
0x200: {  	v28 =	vld.idx.msk [tilespmem:v28+s10+$0x0], $0xffff;
	vm15 =	vmand vm14, vm3;
	vm10 =	vge.f32 v33, v52;
	v48 =	vsel vm0, $0x1, v60  }
0x201: {  	v57 =	vld.idx.msk [tilespmem:v7+s10+$0x0], $0xffff;
	vm9 =	vlt.f32 v34, v49;
	v52 =	vsel vm15, $0x1, v60;
	vm12 =	vmand vm10, vm5  }
0x202: {  	v56 =	vld.idx.msk [tilespmem:v9+s10+$0x0], $0xffff;
	[tilespmem:s8+$0x380] =	vst v30;
	v30 =	vadd.s32 $0xC, v1;
	vm11 =	vmand vm9, vm13;
	v53 =	vadd.s32 v48, v38  }
0x203: {  	[tilespmem:$0x1FF60] =	vst v2;
	vm13 =	vge.f32 v46, v50;
	v33 =	vadd.s32 v52, v37;
	v26 =	vld.idx.msk [tilespmem:v26+s10+$0x0], $0xffff;
	v54 =	vsel vm11, $0x1, v60  }
0x204: {  	s17 =	sadd.s32 s7, s2;
	v11 =	vmovc v27;
	vm0 =	vmand vm13, vm2;
	v55 =	vld.idx.msk [tilespmem:v51+s10+$0x0], $0xffff;
	[tilespmem:s16+$0x100] =	vst v31;
	v31 =	vsel vm12, $0xFFFFFFFF, v60;
	vm14 =	vge.f32 v0, v49  }
0x205: {  	s1 =	sadd.s32 $0x200, s1;
	s15 =	sadd.s32 s13, s2;
	v9 =	vmovc v25;
	[tilespmem:s17+$0x0] =	vst v29;
	v0 =	vadd.s32 $0x1, v51;
	v27 =	vsel vm0, $0xFFFFFFFF, v60;
	v32 =	vld.idx.msk [tilespmem:v47+s10+$0x0], $0xffff;
	v25 =	vadd.s32 v31, v53  }
0x206: {  	s6 =	sadd.s32 $0x40, s6;
	s7 =	sand.u32 $0x400, s1;
	[tilespmem:s15+$0x0] =	vst v28;
	v24 =	vld.idx.msk [tilespmem:v24+s10+$0x0], $0xffff;
	vm15 =	vmand vm14, vm1;
	v27 =	vadd.s32 v27, v33;
	v25 =	vmul.u32 $0x11, v25  }
0x207: {  	s14 =	sadd.s32 s5, s2;
	s20 =	sand.u32 $0x70, s6;
	s2 =	sadd.s32 s7, s30;
	v58 =	vadd.s32 v54, v39;
	v23 =	vld.idx.msk [tilespmem:v23+s10+$0x0], $0xffff;
	[tilespmem:s4+$0x300] =	vst v56;
	v31 =	vsel vm15, $0xFFFFFFFF, v60;
	v27 =	vmul.u32 $0x11, v27  }
0x208: {  	s18 =	sadd.s32 s20, s2;
	v62 =	vld.idx.msk [tilespmem:v59+s10+$0x0], $0xffff;
	v28 =	vadd.s32 v31, v58;
	[tilespmem:s14+$0x0] =	vst v26  }
0x209: {  	v50 =	vmul.u32 $0x11, v28;
	v63 =	vld.idx.msk [tilespmem:v61+s10+$0x0], $0xffff;
	[tilespmem:s18+$0x0] =	vst v55  }
0x20a: {  	v0 =	vld.idx.msk [tilespmem:v0+s10+$0x0], $0xffff;
	[tilespmem:s16+$0x180] =	vst v32  }
0x20b: {  	[tilespmem:s31+$0x380] =	vst v57;
	s31 =	smov.u32 s15;
	v60 =	vadd.s32 $0x2, v51;
	v29 =	vld.idx.msk [tilespmem:v30+s10+$0x0], $0xffff  }
0x20c: {  	v8 =	vmov v22;
	v7 =	vmov v21;
	v21 =	vadd.s32 $0xD, v1;
	v22 =	vld.idx.msk [tilespmem:v25+s10+$0x0], $0xffff;
	[tilespmem:s31+$0x80] =	vst v23  }
0x20d: {  	v48 =	vld.idx.msk [tilespmem:v27+s10+$0x0], $0xffff;
	[tilespmem:s17+$0x80] =	vst v24  }
0x20e: {  	s8 =	sadd.s32 $0xFFFFFFD0, s6;
	v33 =	vadd.s32 $0x1, v25;
	v59 =	vld.idx.msk [tilespmem:v20+s10+$0x0], $0xffff;
	[tilespmem:s0+$0x380] =	vst v62  }
0x20f: {  	s11 =	sadd.s32 $0xFFFFFFE0, s6;
	s13 =	sand.u32 $0x40, s8;
	v38 =	vadd.s32 $0x1, v27;
	v57 =	vld.idx.msk [tilespmem:v50+s10+$0x0], $0xffff;
	[tilespmem:s18+$0x80] =	vst v0  }
0x210: {  	s7 =	sand.u32 $0x50, s11;
	s11 =	sadd.s32 s13, s2;
	v39 =	vadd.s32 $0x1, v50;
	v0 =	vld.idx.msk [tilespmem:v60+s10+$0x0], $0xffff;
	[tilespmem:s16+$0x200] =	vst v29  }
0x211: {  	s12 =	sadd.s32 $0xFFFFFFF0, s6;
	v21 =	vld.idx.msk [tilespmem:v21+s10+$0x0], $0xffff;
	[tilespmem:s11+$0x0] =	vst v22  }
0x212: {  	s5 =	sand.u32 $0x60, s12;
	s12 =	sadd.s32 s7, s2;
	v58 =	vadd.s32 $0x3, v51;
	v52 =	vadd.s32 $0x2, v25;
	v53 =	vadd.s32 $0x2, v27;
	[tilespmem:s4+$0x380] =	vst v63;
	v61 =	vld.idx.msk [tilespmem:v17+s10+$0x0], $0xffff  }
0x213: {  	s8 =	sadd.s32 s5, s2;
	v54 =	vadd.s32 $0x3, v27;
	v47 =	vadd.s32 $0x4, v27;
	v42 =	vadd.s32 $0x5, v27;
	[tilespmem:s12+$0x0] =	vst v48;
	v62 =	vld.idx.msk [tilespmem:v33+s10+$0x0], $0xffff  }
0x214: {  	v36 =	vadd.s32 $0x6, v27;
	v2 =	vadd.s32 $0xB, v27;
	v22 =	vadd.s32 $0xE, v1;
	v5 =	vld.idx.msk [tilespmem:v38+s10+$0x0], $0xffff;
	[tilespmem:s8+$0x0] =	vst v57  }
0x215: {  	[tilespmem:$0x1FF90] =	vst v3;
	v45 =	vadd.s32 $0xC, v27;
	v55 =	vadd.s32 $0x2, v50;
	v56 =	vadd.s32 $0x3, v50;
	s4 =	smov.u32 s14;
	v6 =	vld.idx.msk [tilespmem:v39+s10+$0x0], $0xffff  }
0x216: {  	v46 =	vadd.s32 $0x4, v50;
	v41 =	vadd.s32 $0x5, v50;
	v60 =	vadd.s32 $0xA, v27;
	[tilespmem:s4+$0x80] =	vst v59;
	v59 =	vld.idx.msk [tilespmem:v18+s10+$0x0], $0xffff  }
0x217: {  	v34 =	vadd.s32 $0x6, v50;
	v32 =	vadd.s32 $0x7, v27;
	v26 =	vadd.s32 $0x8, v50;
	v18 =	vmovc v60;
	[tilespmem:s18+$0x100] =	vst v0;
	v60 =	vld.idx.msk [tilespmem:v19+s10+$0x0], $0xffff  }
0x218: {  	v20 =	vadd.s32 $0x9, v50;
	v3 =	vadd.s32 $0xA, v50;
	v30 =	vadd.s32 $0x7, v50;
	v0 =	vld.idx.msk [tilespmem:v58+s10+$0x0], $0xffff;
	[tilespmem:s16+$0x280] =	vst v21  }
0x219: {  	v24 =	vadd.s32 $0x9, v27;
	v63 =	vadd.s32 $0xB, v25;
	v29 =	vadd.s32 $0x8, v27;
	v58 =	vld.idx.msk [tilespmem:v22+s10+$0x0], $0xffff;
	[tilespmem:s31+$0x100] =	vst v61  }
0x21a: {  	v48 =	vadd.s32 $0xC, v50;
	v38 =	vadd.s32 $0xD, v27;
	v33 =	vadd.s32 $0xE, v27;
	[tilespmem:s11+$0x80] =	vst v62;
	v62 =	vld [tilespmem:$0x1FF60]  }
0x21b: {  	v57 =	vadd.s32 $0xB, v50;
	v39 =	vadd.s32 $0xD, v50;
	v19 =	vmovc v3;
	v21 =	vadd.s32 $0xF, v27;
	[tilespmem:s12+$0x80] =	vst v5;
	v3 =	vld.idx.msk [tilespmem:v52+s10+$0x0], $0xffff  }
0x21c: {  	v27 =	vadd.s32 $0xE, v50;
	v22 =	vadd.s32 $0xF, v50;
	v50 =	vadd.s32 $0x4, v51;
	v5 =	vld.idx.msk [tilespmem:v53+s10+$0x0], $0xffff  }
0x21d: {  	v61 =	vadd.s32 $0xF, v1;
	v53 =	vld.idx.msk [tilespmem:v15+s10+$0x0], $0xffff  }
0x21e: {  	s0 =	smov.u32 s17;
	v15 =	vmov v63;
	v63 =	vmov v10;
	v10 =	vld [tilespmem:$0x1FF90];
	[tilespmem:s8+$0x80] =	vst v6  }
0x21f: {  	[tilespmem:s0+$0x100] =	vst v59;
	v59 =	vmov v7;
	v7 =	vmov v9;
	v9 =	vmov v11;
	v11 =	vld [tilespmem:$0x1FF70]  }
0x220: {  	v49 =	vadd.s32 $0x3, v25;
	v6 =	vld.idx.msk [tilespmem:v55+s10+$0x0], $0xffff;
	[tilespmem:s18+$0x180] =	vst v0  }
0x221: {  	v0 =	vld.idx.msk [tilespmem:v50+s10+$0x0], $0xffff;
	[tilespmem:s16+$0x300] =	vst v58  }
0x222: {  	[tilespmem:$0x1FF80] =	vst v4;
	v50 =	vld.idx.msk [tilespmem:v61+s10+$0x0], $0xffff  }
0x223: {  	v1 =	vmov v51;
	[tilespmem:s4+$0x100] =	vst v60;
	v61 =	vmov v8;
	v8 =	vld [tilespmem:$0x1FF80]  }
0x224: {  	s19 =	sadd.s32 $0x4, s19;
	v51 =	vadd.s32 $0x5, v1;
	[tilespmem:s11+$0x100] =	vst v3;
	v3 =	vld.idx.msk [tilespmem:v14+s10+$0x0], $0xffff  }
0x225: {  	p1 =	slt.u32 s19, $0xC;
	[tilespmem:s12+$0x100] =	vst v5;
	v49 =	vld.idx.msk [tilespmem:v49+s10+$0x0], $0xffff  }
.Ltmp2:
0x226: {  	v44 =	vadd.s32 $0x4, v25;
	v40 =	vadd.s32 $0x5, v25;
	v52 =	vld.idx.msk [tilespmem:v54+s10+$0x0], $0xffff;
	[tilespmem:s31+$0x180] =	vst v53;
	(pc) =	sbr.rel @p1 .LBB2_9-.Ltmp2, $4  }
0x227: {  	v35 =	vadd.s32 $0x6, v25;
	v31 =	vadd.s32 $0x7, v25;
	v28 =	vadd.s32 $0x8, v25;
	[tilespmem:s8+$0x100] =	vst v6;
	v53 =	vld.idx.msk [tilespmem:v13+s10+$0x0], $0xffff  }
0x228: {  	v4 =	vadd.s32 $0xC, v25;
	v43 =	vadd.s32 $0xD, v25;
	v37 =	vadd.s32 $0xE, v25;
	v56 =	vld.idx.msk [tilespmem:v56+s10+$0x0], $0xffff;
	[tilespmem:s18+$0x200] =	vst v0  }
0x229: {  	v23 =	vadd.s32 $0x9, v25;
	v17 =	vadd.s32 $0xA, v25;
	v25 =	vadd.s32 $0xF, v25;
	v55 =	vld.idx.msk [tilespmem:v51+s10+$0x0], $0xffff;
	[tilespmem:s16+$0x380] =	vst v50  }
0x22a: {  	s9 =	sadd.s32 $0x40, s9;
	v60 =	vimm.s32 $0x0;
	v14 =	vmovc v2;
	v13 =	vmovc v4;
	v54 =	vld.idx.msk [tilespmem:v16+s10+$0x0], $0xffff;
	v16 =	vmov v57;
	v57 =	vadd.s32 $0x6, v1;
	[tilespmem:s0+$0x180] =	vst v3  }
0x22b: {  	_ =	sdelay $0x2  }
0x22c: {  	[tilespmem:s11+$0x180] =	vst v49  }
0x22d: {  	[tilespmem:s12+$0x180] =	vst v52;
	v0 =	vld.idx.msk [tilespmem:v44+s10+$0x0], $0xffff  }
0x22e: {  	v2 =	vld.idx.msk [tilespmem:v47+s10+$0x0], $0xffff;
	[tilespmem:s8+$0x180] =	vst v56  }
0x22f: {  	v3 =	vld.idx.msk [tilespmem:v46+s10+$0x0], $0xffff;
	_ =	sdelay $0x2  }
0x230: {  	[tilespmem:s11+$0x200] =	vst v0  }
0x231: {  	[tilespmem:s12+$0x200] =	vst v2;
	v0 =	vld.idx.msk [tilespmem:v40+s10+$0x0], $0xffff  }
0x232: {  	v2 =	vld.idx.msk [tilespmem:v42+s10+$0x0], $0xffff;
	[tilespmem:s8+$0x200] =	vst v3  }
0x233: {  	v3 =	vld.idx.msk [tilespmem:v41+s10+$0x0], $0xffff;
	_ =	sdelay $0x1  }
0x234: {  	[tilespmem:s18+$0x280] =	vst v55  }
0x235: {  	v4 =	vld.idx.msk [tilespmem:v57+s10+$0x0], $0xffff;
	[tilespmem:s11+$0x280] =	vst v0  }
0x236: {  	v57 =	vadd.s32 $0x7, v1;
	[tilespmem:s12+$0x280] =	vst v2;
	v5 =	vld.idx.msk [tilespmem:v35+s10+$0x0], $0xffff  }
0x237: {  	v2 =	vld.idx.msk [tilespmem:v36+s10+$0x0], $0xffff;
	[tilespmem:s8+$0x280] =	vst v3  }
0x238: {  	v3 =	vld.idx.msk [tilespmem:v34+s10+$0x0], $0xffff;
	_ =	sdelay $0x1  }
0x239: {  	[tilespmem:s18+$0x300] =	vst v4  }
0x23a: {  	v0 =	vld.idx.msk [tilespmem:v57+s10+$0x0], $0xffff;
	[tilespmem:s11+$0x300] =	vst v5  }
0x23b: {  	v58 =	vadd.s32 $0x8, v1;
	[tilespmem:s12+$0x300] =	vst v2;
	v5 =	vld.idx.msk [tilespmem:v31+s10+$0x0], $0xffff  }
0x23c: {  	v2 =	vld.idx.msk [tilespmem:v32+s10+$0x0], $0xffff;
	[tilespmem:s8+$0x300] =	vst v3  }
0x23d: {  	v3 =	vld.idx.msk [tilespmem:v30+s10+$0x0], $0xffff;
	_ =	sdelay $0x1  }
0x23e: {  	[tilespmem:s18+$0x380] =	vst v0  }
0x23f: {  	v0 =	vld.idx.msk [tilespmem:v58+s10+$0x0], $0xffff;
	[tilespmem:s11+$0x380] =	vst v5  }
0x240: {  	v31 =	vadd.s32 $0x9, v1;
	[tilespmem:s12+$0x380] =	vst v2;
	v32 =	vld.idx.msk [tilespmem:v28+s10+$0x0], $0xffff  }
0x241: {  	v34 =	vld.idx.msk [tilespmem:v29+s10+$0x0], $0xffff;
	[tilespmem:s8+$0x380] =	vst v3  }
0x242: {  	s30 =	sadd.s32 $0x800, s2;
	v3 =	vld.idx.msk [tilespmem:v26+s10+$0x0], $0xffff  }
0x243: {  	s6 =	sadd.s32 s20, s30  }
0x244: {  	s1 =	sadd.s32 s13, s30;
	[tilespmem:s6+$0x0] =	vst v0  }
0x245: {  	s2 =	sadd.s32 s7, s30;
	v0 =	vld.idx.msk [tilespmem:v31+s10+$0x0], $0xffff;
	[tilespmem:s1+$0x0] =	vst v32  }
0x246: {  	s5 =	sadd.s32 s5, s30;
	v35 =	vadd.s32 $0xA, v1;
	[tilespmem:s2+$0x0] =	vst v34;
	v36 =	vld.idx.msk [tilespmem:v23+s10+$0x0], $0xffff  }
0x247: {  	v5 =	vld.idx.msk [tilespmem:v24+s10+$0x0], $0xffff;
	[tilespmem:s5+$0x0] =	vst v3  }
0x248: {  	v3 =	vld.idx.msk [tilespmem:v20+s10+$0x0], $0xffff  }
0x249: {  	v6 =	vld.idx.msk [tilespmem:v12+s10+$0x0], $0xffff;
	[tilespmem:s4+$0x180] =	vst v54  }
0x24a: {  	v11 =	vld.idx.msk [tilespmem:v11+s10+$0x0], $0xffff;
	[tilespmem:s6+$0x80] =	vst v0  }
0x24b: {  	v0 =	vld.idx.msk [tilespmem:v35+s10+$0x0], $0xffff;
	[tilespmem:s1+$0x80] =	vst v36  }
0x24c: {  	v40 =	vadd.s32 $0xB, v1;
	[tilespmem:s2+$0x80] =	vst v5;
	v4 =	vld.idx.msk [tilespmem:v17+s10+$0x0], $0xffff  }
0x24d: {  	v41 =	vld.idx.msk [tilespmem:v18+s10+$0x0], $0xffff;
	[tilespmem:s5+$0x80] =	vst v3  }
0x24e: {  	[tilespmem:s0+$0x200] =	vst v6;
	v42 =	vld.idx.msk [tilespmem:v19+s10+$0x0], $0xffff  }
0x24f: {  	[tilespmem:s31+$0x200] =	vst v53;
	v8 =	vld.idx.msk [tilespmem:v8+s10+$0x0], $0xffff  }
0x250: {  	v6 =	vld [tilespmem:$0x1FFA0];
	[tilespmem:s6+$0x100] =	vst v0  }
0x251: {  	v0 =	vld.idx.msk [tilespmem:v40+s10+$0x0], $0xffff;
	[tilespmem:s1+$0x100] =	vst v4  }
0x252: {  	v44 =	vadd.s32 $0xC, v1;
	[tilespmem:s2+$0x100] =	vst v41;
	v46 =	vld.idx.msk [tilespmem:v15+s10+$0x0], $0xffff  }
0x253: {  	v47 =	vld.idx.msk [tilespmem:v14+s10+$0x0], $0xffff;
	[tilespmem:s5+$0x100] =	vst v42  }
0x254: {  	[tilespmem:s4+$0x200] =	vst v11;
	v5 =	vld.idx.msk [tilespmem:v16+s10+$0x0], $0xffff  }
0x255: {  	[tilespmem:s0+$0x280] =	vst v8;
	v49 =	vld.idx.msk [tilespmem:v10+s10+$0x0], $0xffff  }
0x256: {  	v52 =	vld.idx.msk [tilespmem:v63+s10+$0x0], $0xffff;
	[tilespmem:s6+$0x180] =	vst v0  }
0x257: {  	v0 =	vld.idx.msk [tilespmem:v44+s10+$0x0], $0xffff;
	[tilespmem:s1+$0x180] =	vst v46  }
0x258: {  	v50 =	vadd.s32 $0xD, v1;
	[tilespmem:s2+$0x180] =	vst v47;
	v3 =	vld.idx.msk [tilespmem:v13+s10+$0x0], $0xffff  }
0x259: {  	v4 =	vld.idx.msk [tilespmem:v45+s10+$0x0], $0xffff;
	[tilespmem:s5+$0x180] =	vst v5  }
0x25a: {  	[tilespmem:s4+$0x280] =	vst v49;
	v5 =	vld.idx.msk [tilespmem:v48+s10+$0x0], $0xffff  }
0x25b: {  	[tilespmem:s0+$0x300] =	vst v52;
	v54 =	vld.idx.msk [tilespmem:v9+s10+$0x0], $0xffff  }
0x25c: {  	v6 =	vld.idx.msk [tilespmem:v6+s10+$0x0], $0xffff;
	[tilespmem:s6+$0x200] =	vst v0  }
0x25d: {  	v0 =	vld.idx.msk [tilespmem:v50+s10+$0x0], $0xffff;
	[tilespmem:s1+$0x200] =	vst v3  }
0x25e: {  	v53 =	vadd.s32 $0xE, v1;
	[tilespmem:s2+$0x200] =	vst v4;
	v3 =	vld.idx.msk [tilespmem:v43+s10+$0x0], $0xffff  }
0x25f: {  	v4 =	vld.idx.msk [tilespmem:v38+s10+$0x0], $0xffff;
	[tilespmem:s5+$0x200] =	vst v5  }
0x260: {  	[tilespmem:s4+$0x300] =	vst v54;
	v5 =	vld.idx.msk [tilespmem:v39+s10+$0x0], $0xffff  }
0x261: {  	v59 =	vld.idx.msk [tilespmem:v59+s10+$0x0], $0xffff;
	[tilespmem:s31+$0x280] =	vst v6  }
0x262: {  	v51 =	vld.idx.msk [tilespmem:v62+s10+$0x0], $0xffff;
	[tilespmem:s6+$0x280] =	vst v0  }
0x263: {  	v0 =	vld.idx.msk [tilespmem:v53+s10+$0x0], $0xffff;
	[tilespmem:s1+$0x280] =	vst v3  }
0x264: {  	v55 =	vadd.s32 $0xF, v1;
	[tilespmem:s2+$0x280] =	vst v4;
	v56 =	vld.idx.msk [tilespmem:v37+s10+$0x0], $0xffff  }
0x265: {  	v57 =	vld.idx.msk [tilespmem:v33+s10+$0x0], $0xffff;
	[tilespmem:s5+$0x280] =	vst v5  }
0x266: {  	[tilespmem:s0+$0x380] =	vst v59;
	v58 =	vld.idx.msk [tilespmem:v27+s10+$0x0], $0xffff  }
0x267: {  	v6 =	vld.idx.msk [tilespmem:v61+s10+$0x0], $0xffff;
	[tilespmem:s31+$0x300] =	vst v51  }
0x268: {  	v7 =	vld.idx.msk [tilespmem:v7+s10+$0x0], $0xffff;
	[tilespmem:s6+$0x300] =	vst v0  }
0x269: {  	v0 =	vld.idx.msk [tilespmem:v55+s10+$0x0], $0xffff;
	[tilespmem:s1+$0x300] =	vst v56  }
0x26a: {  	[tilespmem:s2+$0x300] =	vst v57;
	v61 =	vld.idx.msk [tilespmem:v25+s10+$0x0], $0xffff  }
0x26b: {  	s29 =	sadd.s32 $0x1, s29;
	v62 =	vld.idx.msk [tilespmem:v21+s10+$0x0], $0xffff;
	[tilespmem:s5+$0x300] =	vst v58  }
0x26c: {  	p1 =	sne.s32 s29, $0xA;
	[tilespmem:s4+$0x380] =	vst v6;
	v63 =	vld.idx.msk [tilespmem:v22+s10+$0x0], $0xffff  }
.Ltmp3:
0x26d: {  	[tilespmem:s31+$0x380] =	vst v7;
	(pc) =	sbr.rel @p1 .LBB2_8-.Ltmp3, $4  }
0x26e: {  	[tilespmem:s6+$0x380] =	vst v0  }
0x26f: {  	[tilespmem:s1+$0x380] =	vst v61  }
0x270: {  	[tilespmem:s2+$0x380] =	vst v62  }
0x271: {  	s28 =	sadd.s32 $0x100, s28;
	[tilespmem:s5+$0x380] =	vst v63  }
0x272: {  	s22 =	sadd.s32 $0x1, s22  }
0x273: {  	p1 =	sne.s32 s22, $0x5  }
.Ltmp4:
0x274: {  	_ = 	snop;
	(pc) =	sbr.rel @p1 .LBB2_3-.Ltmp4, $4  }
0x275: {  	s0 =	sshll.u32 s25, $0xF  }
0x276: {  	s15 =	simm.s32 $0x800;
	s1 =	simm.s32 $0x20000;
	s2 =	simm.s32 $0x14C00  }
0x277: {  	s23 =	sadd.s32 $0x1400, s23;
	s24 =	sadd.s32 $0x1400, s24;
	s0 =	sadd.s32 s0, s21  }
0x278: {  	[hbm4b:s0+s15] =	stream.strided.scatter [tilespmem:s2], [sflag:$0x2], $0xA000, s1, s15, $0x38;
	[tilespmem:$0x1EC00] =	vst v63  }
0x279: {  	s0 =	simm.s32 $0x1  }
0x27a: {  	_ =	swait.ge [sflag:s0], $0xA000  }
.Ltmp5:
0x27b: {  	[sflag:s0] =	ssyncset.done $0x0;
	(pc) =	sbr.rel @p0 .LBB2_2-.Ltmp5, $4  }
0x27c: {  	s31 =	simm.s32 $0x2;
	[sflag:s0] =	ssyncadd.s32 $0xFFFF6000  }
0x27d: {  	_ =	swait.ge [sflag:s31], $0xA000  }
0x27e: {  	[sflag:s31] =	ssyncset.done $0x0  }
0x27f: {  	p1 =	por $0x0, $0x0;
	s0 =	simm.s32 $0x100;
	[sflag:s31] =	ssyncadd.s32 $0xFFFF6000  }
0x280: {  	s1 =	rddreg [dreg:$0x8]  }
0x281: {  	s0 =	rddreg [dreg:$0x7];
	s1 =	sadd.s32 $0x1, s1  }
0x282: {  	p0 =	sne.s32 s1, s0  }
.Ltmp6:
0x283: {  	_ = 	snop;
	(pc) =	sbr.rel @p0 .LBB2_1-.Ltmp6, $1  }
0x284: {  	_ =	sdelay $0x3  }
0x285: {  	_ =	sfence.sel $0x180000  }
0x286: {  	[bflag:$0x0] =	sbarrier.arrive $0xFFFF  }
0x287: {  	_ =	strace $0x90000047  }
0x288: {  	s0 =	stileid.u32;
	[bflag:$0x2] =	sbarrier.arrive $0xFFFF  }
0x289: {  	p0 =	sne.s32 s0, $0x0;
	s0 =	rddreg [dreg:$0x3]  }
0x28a: {  	s0 =	sadd.s32 @!p0 $0x100000, s0  }
0x28b: {  	[sflag:s0] =	ssyncadd.tile.s32 @!p0 $0x1;
	_ =	shalt  }
.Lfunc_end2:
_tile_overlayer_lowered:
.L_overlay_start_2:
0x28c: {  	(tag) =	ssettag $0x2  }
0x28d: {  	s0 =	rddreg [dreg:$0x0];
	s2 =	stileid.u32  }
0x28e: {  	s1 =	rddreg [dreg:$0x1];
	p0 =	sne.s32 s2, $0x0  }
0x28f: {  	s3 =	rddreg [dreg:$0x2];
	[bflag:$0x3] =	sbarrier.arrive $0xFFFF;
	s2 =	simm.s32 @!p0 $0x1C03  }
0x290: {  	[timem:s3], [sflag:s2] =	dma.local @!p0 [hbm:s0], s1  }
0x291: {  	s0 =	simm.s32 @!p0 $0x3  }
0x292: {  	_ =	swait.ge @!p0 [sflag:s0], s1  }
0x293: {  	s1 =	ssub.s32 @!p0 $0x0, s1;
	[sflag:s0] =	ssyncset.done @!p0 $0x0  }
0x294: {  	[sflag:s0] =	ssyncadd.s32 @!p0 s1  }
0x295: {  	[bflag:$0x3] =	sbarrier.arrive $0xFFFF  }
0x296: {  	_ =	shalt  }

</sc_bundles>
